<compile_context>
chip_gen: v7x
topology: tpu7x:2x2x1
jax: 0.10.2.dev20260603
libtpu: 0.0.44.dev20260713+nightly
codegen_flags: <defaults>
</compile_context>

<pallas_src>
import functools

import jax
import jax.numpy as jnp
from jax import lax
from jax.experimental import pallas as pl
from jax.experimental.pallas import tpu as pltpu
from jax.experimental.pallas import tpu_sc as plsc

NC = 2
NS = 16
NW = NC * NS
CHUNK = 128
BN = 512



def _sc_mesh():
    return plsc.VectorSubcoreMesh(
        core_axis_name="c", subcore_axis_name="s", num_cores=NC,
        num_subcores=NS)


def _sc_spmm(table, srcs, dsts, zeros_nd, npad, d, k):
    zrows = npad // NS

    @functools.partial(
        pl.kernel,
        out_type=jax.ShapeDtypeStruct((NC, npad, d), jnp.float32),
        mesh=_sc_mesh(),
        scratch_types=[
            pltpu.VMEM((k, CHUNK), jnp.int32),
            pltpu.VMEM((k, CHUNK), jnp.int32),
            pltpu.VMEM((CHUNK, d), jnp.float32),
            pltpu.VMEM_SHARED((npad, d), jnp.float32),
        ],
    )
    def run(table_h, srcs_h, dsts_h, zeros_h, out_h, idx_s, idx_d, rows, acc):
        c = lax.axis_index("c")
        s = lax.axis_index("s")
        wid = c * NS + s
        pltpu.sync_copy(srcs_h.at[wid], idx_s)
        pltpu.sync_copy(dsts_h.at[wid], idx_d)
        pltpu.sync_copy(zeros_h.at[pl.ds(s * zrows, zrows)],
                        acc.at[pl.ds(s * zrows, zrows)])
        plsc.subcore_barrier()

        @pl.loop(0, k)
        def _(j):
            pltpu.sync_copy(table_h.at[idx_s.at[j]], rows)
            pltpu.sync_copy(rows, acc.at[idx_d.at[j]], add=True)

        plsc.subcore_barrier()
        pltpu.sync_copy(acc.at[pl.ds(s * zrows, zrows)],
                        out_h.at[c, pl.ds(s * zrows, zrows)])

    return run(table, srcs, dsts, zeros_nd)



def _dis_block(d0, d1, row0, n):
    deg = d0[:, :1] + d1[:, :1] + 1.0
    rows = row0 + lax.broadcasted_iota(jnp.int32, (deg.shape[0], 1), 0)
    return jnp.where(rows < n, lax.rsqrt(deg), 0.0)


def _prep_body(n, x_ref, w_ref, d0_ref, d1_ref, o_ref):
    i = pl.program_id(0)
    dis = _dis_block(d0_ref[...], d1_ref[...], i * BN, n)
    hw = jnp.dot(x_ref[...], w_ref[...], preferred_element_type=jnp.float32)
    o_ref[...] = hw * dis


def _layer_body(n, s0_ref, s1_ref, t_ref, d0_ref, d1_ref, b_ref, w_ref, o_ref):
    i = pl.program_id(0)
    dis = _dis_block(d0_ref[...], d1_ref[...], i * BN, n)
    h = dis * (s0_ref[...] + s1_ref[...] + t_ref[...]) + b_ref[...]
    h = jnp.maximum(h, 0.0)
    o_ref[...] = jnp.dot(h, w_ref[...], preferred_element_type=jnp.float32) * dis


def _final_body(n, s0_ref, s1_ref, t_ref, d0_ref, d1_ref, b_ref, o_ref):
    i = pl.program_id(0)
    dis = _dis_block(d0_ref[...], d1_ref[...], i * BN, n)
    o_ref[...] = dis * (s0_ref[...] + s1_ref[...] + t_ref[...]) + b_ref[...]


def _row_spec(d):
    return pl.BlockSpec((BN, d), lambda i: (i, 0))


def _const_spec(shape):
    return pl.BlockSpec(shape, lambda i: (0, 0))


def _tc_prep(xp, w, d0, d1, n, npad, d):
    return pl.pallas_call(
        functools.partial(_prep_body, n),
        grid=(npad // BN,),
        in_specs=[_row_spec(d), _const_spec((d, d)), _row_spec(16),
                  _row_spec(16)],
        out_specs=_row_spec(d),
        out_shape=jax.ShapeDtypeStruct((npad, d), jnp.float32),
    )(xp, w, d0, d1)


def _tc_layer(s0, s1, t, d0, d1, b, w, n, npad, d):
    return pl.pallas_call(
        functools.partial(_layer_body, n),
        grid=(npad // BN,),
        in_specs=[_row_spec(d), _row_spec(d), _row_spec(d), _row_spec(16),
                  _row_spec(16), _const_spec((1, d)), _const_spec((d, d))],
        out_specs=_row_spec(d),
        out_shape=jax.ShapeDtypeStruct((npad, d), jnp.float32),
    )(s0, s1, t, d0, d1, b, w)


def _tc_final(s0, s1, t, d0, d1, b, n, npad, d):
    return pl.pallas_call(
        functools.partial(_final_body, n),
        grid=(npad // BN,),
        in_specs=[_row_spec(d), _row_spec(d), _row_spec(d), _row_spec(16),
                  _row_spec(16), _const_spec((1, d))],
        out_specs=_row_spec(d),
        out_shape=jax.ShapeDtypeStruct((npad, d), jnp.float32),
    )(s0, s1, t, d0, d1, b)



def kernel(x, edge_index, W1, b1, W2, b2, W3, b3):
    n, d = x.shape
    e = edge_index.shape[1]
    npad = -(-n // BN) * BN
    k = -(-e // (NW * CHUNK))
    k += k % 2
    epad = NW * CHUNK * k

    pad = jnp.full((epad - e,), n, jnp.int32)
    src = jnp.concatenate([edge_index[0].astype(jnp.int32), pad])
    dst = jnp.concatenate([edge_index[1].astype(jnp.int32), pad])
    src = src.reshape(NW, k, CHUNK)
    dst = dst.reshape(NW, k, CHUNK)

    xp = jnp.zeros((npad, d), jnp.float32).at[:n].set(x)
    zeros_nd = jnp.zeros((npad, d), jnp.float32)
    ones_nd = jnp.zeros((npad, d), jnp.float32).at[:n].set(1.0)

    degp = _sc_spmm(ones_nd, src, dst, zeros_nd, npad, d, k)
    d0, d1 = degp[0, :, :16], degp[1, :, :16]
    b1r, b2r, b3r = (v.reshape(1, d) for v in (b1, b2, b3))

    t1 = _tc_prep(xp, W1, d0, d1, n, npad, d)
    s = _sc_spmm(t1, src, dst, zeros_nd, npad, d, k)
    t2 = _tc_layer(s[0], s[1], t1, d0, d1, b1r, W2, n, npad, d)
    s = _sc_spmm(t2, src, dst, zeros_nd, npad, d, k)
    t3 = _tc_layer(s[0], s[1], t2, d0, d1, b2r, W3, n, npad, d)
    s = _sc_spmm(t3, src, dst, zeros_nd, npad, d, k)
    out = _tc_final(s[0], s[1], t3, d0, d1, b3r, n, npad, d)
    return out[:n]

# --- scband reference (transcript-rebuilt; emitter-appended) ---
"""Pipeline reference for scband-gnnstack-89481348645692 (READ-ONLY COPY).

The authoritative reference and input builder live on the scoring server;
editing this copy changes nothing except your own understanding.
"""

import jax, jax.numpy as jnp
import numpy as np

N = 10000
E = 320000
D = 128


def setup_inputs(seed: int = 0) -> dict:
    key = jax.random.key(seed)
    k1, k2, k3, k4, k5 = jax.random.split(key, 5)
    x = jax.random.normal(k1, (N, D), dtype=jnp.float32)
    edge_index = jax.random.randint(k2, (2, E), 0, N)
    kw1, kw2, kw3 = jax.random.split(k3, 3)
    W1 = jax.random.normal(kw1, (D, D), dtype=jnp.float32) * 0.05
    W2 = jax.random.normal(kw2, (D, D), dtype=jnp.float32) * 0.05
    W3 = jax.random.normal(kw3, (D, D), dtype=jnp.float32) * 0.05
    b1 = jnp.zeros((D,), dtype=jnp.float32)
    b2 = jnp.zeros((D,), dtype=jnp.float32)
    b3 = jnp.zeros((D,), dtype=jnp.float32)
    return {"x": x, "edge_index": edge_index, "W1": W1, "b1": b1,
            "W2": W2, "b2": b2, "W3": W3, "b3": b3}


def _gcn_conv(h, src, dst, W, b, num_nodes):
    # GCNConv: add self-loops, symmetric normalization, linear transform,
    # scatter-add aggregation, then bias (matches torch_geometric GCNConv defaults).
    loop = jnp.arange(num_nodes, dtype=src.dtype)
    src_sl = jnp.concatenate([src, loop])
    dst_sl = jnp.concatenate([dst, loop])
    ones = jnp.ones_like(dst_sl, dtype=jnp.float32)
    deg = jax.ops.segment_sum(ones, dst_sl, num_segments=num_nodes)
    deg_inv_sqrt = jnp.where(deg > 0, jax.lax.rsqrt(deg), 0.0)
    norm = deg_inv_sqrt[src_sl] * deg_inv_sqrt[dst_sl]
    hW = h @ W
    msgs = hW[src_sl] * norm[:, None]
    out = jax.ops.segment_sum(msgs, dst_sl, num_segments=num_nodes)
    return out + b


def reference(x, edge_index, W1, b1, W2, b2, W3, b3):
    src = edge_index[0]
    dst = edge_index[1]
    # layer 1 + relu (dropout is identity in eval mode)
    h = _gcn_conv(x, src, dst, W1, b1, N)
    h = jax.nn.relu(h)
    # layer 2 + relu
    h = _gcn_conv(h, src, dst, W2, b2, N)
    h = jax.nn.relu(h)
    # final layer (no activation)
    out = _gcn_conv(h, src, dst, W3, b3, N)
    return out

if __name__ == "__main__":
    import jax
    _d = setup_inputs()
    print(jax.jit(kernel)(*tuple(_d.values())))

</pallas_src>

<mosaic_0001>
#map = affine_map<(d0, d1) -> (0, 0)>
#map1 = affine_map<(d0, d1) -> (0, 0, 0)>
module attributes {stable_mosaic.version = 14 : i64} {
  func.func @run(%arg0: i32, %arg1: i32, %arg2: memref<10240x128xf32, #tpu.memory_space<hbm>>, %arg3: memref<32x80x128xi32, #tpu.memory_space<hbm>>, %arg4: memref<32x80x128xi32, #tpu.memory_space<hbm>>, %arg5: memref<10240x128xf32, #tpu.memory_space<hbm>>, %arg6: memref<2x10240x128xf32, #tpu.memory_space<hbm>>, %arg7: memref<80x128xi32, #tpu.memory_space<vmem>>, %arg8: memref<80x128xi32, #tpu.memory_space<vmem>>, %arg9: memref<128x128xf32, #tpu.memory_space<vmem>>, %arg10: memref<10240x128xf32, #tpu.memory_space<vmem_shared>>) attributes {dimension_semantics = [#tpu.dimension_semantics<core_parallel>, #tpu.dimension_semantics<subcore_parallel>], iteration_bounds = array<i64: 2, 16>, scalar_prefetch = 0 : i64, scratch_operands = 4 : i64, tpu.core_type = #tpu.core_type<sc_vector_subcore>, window_params = [{transform_indices = #map}, {transform_indices = #map1}, {transform_indices = #map1}, {transform_indices = #map}, {transform_indices = #map1}]} {
    %mul3A = arith.constant 16 : i32
    %mul3A_0 = arith.muli %arg0, %mul3A : i32
    %add3A = arith.addi %mul3A_0, %arg1 : i32
    "tpu.region"() ({
      %run_scoped3A = tpu.sem_alloc : memref<!tpu.dma_semaphore, #tpu.memory_space<semaphore_mem>>
      %dma_start3A = arith.constant 0 : i32
      %dma_start3A_14 = arith.constant 0 : i32
      %dma_start3A_15 = tpu.memref_slice %arg3[%add3A, %dma_start3A, %dma_start3A_14] : memref<32x80x128xi32, #tpu.memory_space<hbm>> -> memref<1x80x128xi32, #tpu.memory_space<hbm>>
      %dma_start3A_16 = tpu.memref_squeeze %dma_start3A_15 : memref<1x80x128xi32, #tpu.memory_space<hbm>> -> memref<80x128xi32, #tpu.memory_space<hbm>>
      %dma_start3A_17 = arith.constant 0 : i32
      %dma_start3A_18 = arith.constant 0 : i32
      %dma_start3A_19 = tpu.memref_slice %arg3[%add3A, %dma_start3A_17, %dma_start3A_18] : memref<32x80x128xi32, #tpu.memory_space<hbm>> -> memref<1x80x128xi32, #tpu.memory_space<hbm>>
      %dma_start3A_20 = tpu.memref_squeeze %dma_start3A_19 : memref<1x80x128xi32, #tpu.memory_space<hbm>> -> memref<80x128xi32, #tpu.memory_space<hbm>>
      tpu.enqueue_dma source(%dma_start3A_20 : memref<80x128xi32, #tpu.memory_space<hbm>>) target(%arg7 : memref<80x128xi32, #tpu.memory_space<vmem>>) target_semaphore(%run_scoped3A : memref<!tpu.dma_semaphore, #tpu.memory_space<semaphore_mem>>)
      %dma_wait3A = arith.constant 0 : i32
      %dma_wait3A_21 = arith.constant 0 : i32
      %dma_wait3A_22 = tpu.memref_slice %arg3[%add3A, %dma_wait3A, %dma_wait3A_21] : memref<32x80x128xi32, #tpu.memory_space<hbm>> -> memref<1x80x128xi32, #tpu.memory_space<hbm>>
      %dma_wait3A_23 = tpu.memref_squeeze %dma_wait3A_22 : memref<1x80x128xi32, #tpu.memory_space<hbm>> -> memref<80x128xi32, #tpu.memory_space<hbm>>
      %dma_wait3A_24 = arith.constant 0 : i32
      %dma_wait3A_25 = arith.constant 0 : i32
      %dma_wait3A_26 = tpu.memref_slice %arg3[%add3A, %dma_wait3A_24, %dma_wait3A_25] : memref<32x80x128xi32, #tpu.memory_space<hbm>> -> memref<1x80x128xi32, #tpu.memory_space<hbm>>
      %dma_wait3A_27 = tpu.memref_squeeze %dma_wait3A_26 : memref<1x80x128xi32, #tpu.memory_space<hbm>> -> memref<80x128xi32, #tpu.memory_space<hbm>>
      tpu.wait_dma2 semaphore(%run_scoped3A : memref<!tpu.dma_semaphore, #tpu.memory_space<semaphore_mem>>) src(%dma_wait3A_27 : memref<80x128xi32, #tpu.memory_space<hbm>>) dst(%arg7 : memref<80x128xi32, #tpu.memory_space<vmem>>)
      tpu.yield
    }) : () -> ()
    "tpu.region"() ({
      %run_scoped3A = tpu.sem_alloc : memref<!tpu.dma_semaphore, #tpu.memory_space<semaphore_mem>>
      %dma_start3A = arith.constant 0 : i32
      %dma_start3A_14 = arith.constant 0 : i32
      %dma_start3A_15 = tpu.memref_slice %arg4[%add3A, %dma_start3A, %dma_start3A_14] : memref<32x80x128xi32, #tpu.memory_space<hbm>> -> memref<1x80x128xi32, #tpu.memory_space<hbm>>
      %dma_start3A_16 = tpu.memref_squeeze %dma_start3A_15 : memref<1x80x128xi32, #tpu.memory_space<hbm>> -> memref<80x128xi32, #tpu.memory_space<hbm>>
      %dma_start3A_17 = arith.constant 0 : i32
      %dma_start3A_18 = arith.constant 0 : i32
      %dma_start3A_19 = tpu.memref_slice %arg4[%add3A, %dma_start3A_17, %dma_start3A_18] : memref<32x80x128xi32, #tpu.memory_space<hbm>> -> memref<1x80x128xi32, #tpu.memory_space<hbm>>
      %dma_start3A_20 = tpu.memref_squeeze %dma_start3A_19 : memref<1x80x128xi32, #tpu.memory_space<hbm>> -> memref<80x128xi32, #tpu.memory_space<hbm>>
      tpu.enqueue_dma source(%dma_start3A_20 : memref<80x128xi32, #tpu.memory_space<hbm>>) target(%arg8 : memref<80x128xi32, #tpu.memory_space<vmem>>) target_semaphore(%run_scoped3A : memref<!tpu.dma_semaphore, #tpu.memory_space<semaphore_mem>>)
      %dma_wait3A = arith.constant 0 : i32
      %dma_wait3A_21 = arith.constant 0 : i32
      %dma_wait3A_22 = tpu.memref_slice %arg4[%add3A, %dma_wait3A, %dma_wait3A_21] : memref<32x80x128xi32, #tpu.memory_space<hbm>> -> memref<1x80x128xi32, #tpu.memory_space<hbm>>
      %dma_wait3A_23 = tpu.memref_squeeze %dma_wait3A_22 : memref<1x80x128xi32, #tpu.memory_space<hbm>> -> memref<80x128xi32, #tpu.memory_space<hbm>>
      %dma_wait3A_24 = arith.constant 0 : i32
      %dma_wait3A_25 = arith.constant 0 : i32
      %dma_wait3A_26 = tpu.memref_slice %arg4[%add3A, %dma_wait3A_24, %dma_wait3A_25] : memref<32x80x128xi32, #tpu.memory_space<hbm>> -> memref<1x80x128xi32, #tpu.memory_space<hbm>>
      %dma_wait3A_27 = tpu.memref_squeeze %dma_wait3A_26 : memref<1x80x128xi32, #tpu.memory_space<hbm>> -> memref<80x128xi32, #tpu.memory_space<hbm>>
      tpu.wait_dma2 semaphore(%run_scoped3A : memref<!tpu.dma_semaphore, #tpu.memory_space<semaphore_mem>>) src(%dma_wait3A_27 : memref<80x128xi32, #tpu.memory_space<hbm>>) dst(%arg8 : memref<80x128xi32, #tpu.memory_space<vmem>>)
      tpu.yield
    }) : () -> ()
    %mul3A_1 = arith.constant 640 : i32
    %mul3A_2 = arith.muli %arg1, %mul3A_1 : i32
    %mul3A_3 = arith.constant 640 : i32
    %mul3A_4 = arith.muli %arg1, %mul3A_3 : i32
    "tpu.region"() ({
      %run_scoped3A = tpu.sem_alloc : memref<!tpu.dma_semaphore, #tpu.memory_space<semaphore_mem>>
      %dma_start3A = arith.constant 0 : i32
      %dma_start3A_14 = tpu.memref_slice %arg10[%mul3A_4, %dma_start3A] : memref<10240x128xf32, #tpu.memory_space<vmem_shared>> -> memref<640x128xf32, #tpu.memory_space<vmem_shared>>
      %dma_start3A_15 = arith.constant 0 : i32
      %dma_start3A_16 = tpu.memref_slice %arg5[%mul3A_2, %dma_start3A_15] : memref<10240x128xf32, #tpu.memory_space<hbm>> -> memref<640x128xf32, #tpu.memory_space<hbm>>
      tpu.enqueue_dma source(%dma_start3A_16 : memref<640x128xf32, #tpu.memory_space<hbm>>) target(%dma_start3A_14 : memref<640x128xf32, #tpu.memory_space<vmem_shared>>) target_semaphore(%run_scoped3A : memref<!tpu.dma_semaphore, #tpu.memory_space<semaphore_mem>>)
      %dma_wait3A = arith.constant 0 : i32
      %dma_wait3A_17 = tpu.memref_slice %arg10[%mul3A_4, %dma_wait3A] : memref<10240x128xf32, #tpu.memory_space<vmem_shared>> -> memref<640x128xf32, #tpu.memory_space<vmem_shared>>
      %dma_wait3A_18 = arith.constant 0 : i32
      %dma_wait3A_19 = tpu.memref_slice %arg5[%mul3A_2, %dma_wait3A_18] : memref<10240x128xf32, #tpu.memory_space<hbm>> -> memref<640x128xf32, #tpu.memory_space<hbm>>
      tpu.wait_dma2 semaphore(%run_scoped3A : memref<!tpu.dma_semaphore, #tpu.memory_space<semaphore_mem>>) src(%dma_wait3A_19 : memref<640x128xf32, #tpu.memory_space<hbm>>) dst(%dma_wait3A_17 : memref<640x128xf32, #tpu.memory_space<vmem_shared>>)
      tpu.yield
    }) : () -> ()
    %barrier3A = arith.constant 0 : index
    tpu.barrier barrier_id(%barrier3A)
    %scan3A = arith.constant 0 : i32
    %scan3A_5 = arith.constant 80 : i32
    %scan3A_6 = arith.addi %scan3A, %scan3A_5 : i32
    %scan3A_7 = arith.constant 1 : i32
    scf.for %scan3A_14 = %scan3A to %scan3A_6 step %scan3A_7  : i32 {
      %mul3A_15 = arith.constant 1 : i32
      %mul3A_16 = arith.muli %scan3A_14, %mul3A_15 : i32
      %add3A_17 = arith.constant 0 : i32
      %add3A_18 = arith.addi %add3A_17, %mul3A_16 : i32
      "tpu.region"() ({
        %run_scoped3A = tpu.sem_alloc : memref<!tpu.dma_semaphore, #tpu.memory_space<semaphore_mem>>
        %dma_start3A = arith.constant 0 : i32
        %dma_start3A_19 = tpu.memref_slice %arg7[%add3A_18, %dma_start3A] : memref<80x128xi32, #tpu.memory_space<vmem>> -> memref<1x128xi32, #tpu.memory_space<vmem>>
        %dma_start3A_20 = tpu.memref_squeeze %dma_start3A_19 : memref<1x128xi32, #tpu.memory_space<vmem>> -> memref<128xi32, #tpu.memory_space<vmem>>
        %dma_start3A_21 = arith.constant 0 : i32
        %dma_start3A_22 = arith.constant 0 : i32
        %dma_start3A_23 = tpu.memref_slice %arg2[%dma_start3A_21, %dma_start3A_22] : memref<10240x128xf32, #tpu.memory_space<hbm>> -> memref<10240x128xf32, #tpu.memory_space<hbm>>
        tpu.enqueue_indirect_dma source(%dma_start3A_23 : memref<10240x128xf32, #tpu.memory_space<hbm>>) target(%arg9 : memref<128x128xf32, #tpu.memory_space<vmem>>) offsets(%dma_start3A_20 : memref<128xi32, #tpu.memory_space<vmem>>) semaphore(%run_scoped3A : memref<!tpu.dma_semaphore, #tpu.memory_space<semaphore_mem>>)
        %dma_wait3A = arith.constant 0 : i32
        %dma_wait3A_24 = tpu.memref_slice %arg7[%add3A_18, %dma_wait3A] : memref<80x128xi32, #tpu.memory_space<vmem>> -> memref<1x128xi32, #tpu.memory_space<vmem>>
        %dma_wait3A_25 = tpu.memref_squeeze %dma_wait3A_24 : memref<1x128xi32, #tpu.memory_space<vmem>> -> memref<128xi32, #tpu.memory_space<vmem>>
        %dma_wait3A_26 = arith.constant 0 : i32
        %dma_wait3A_27 = arith.constant 0 : i32
        %dma_wait3A_28 = tpu.memref_slice %arg2[%dma_wait3A_26, %dma_wait3A_27] : memref<10240x128xf32, #tpu.memory_space<hbm>> -> memref<10240x128xf32, #tpu.memory_space<hbm>>
        tpu.wait_indirect_dma semaphore(%run_scoped3A : memref<!tpu.dma_semaphore, #tpu.memory_space<semaphore_mem>>) src(%dma_wait3A_28 : memref<10240x128xf32, #tpu.memory_space<hbm>>) dst(%arg9 : memref<128x128xf32, #tpu.memory_space<vmem>>)
        tpu.yield
      }) : () -> ()
      "tpu.region"() ({
        %run_scoped3A = tpu.sem_alloc : memref<!tpu.dma_semaphore, #tpu.memory_space<semaphore_mem>>
        %dma_start3A = arith.constant 0 : i32
        %dma_start3A_19 = tpu.memref_slice %arg8[%add3A_18, %dma_start3A] : memref<80x128xi32, #tpu.memory_space<vmem>> -> memref<1x128xi32, #tpu.memory_space<vmem>>
        %dma_start3A_20 = tpu.memref_squeeze %dma_start3A_19 : memref<1x128xi32, #tpu.memory_space<vmem>> -> memref<128xi32, #tpu.memory_space<vmem>>
        %dma_start3A_21 = arith.constant 0 : i32
        %dma_start3A_22 = arith.constant 0 : i32
        %dma_start3A_23 = tpu.memref_slice %arg10[%dma_start3A_21, %dma_start3A_22] : memref<10240x128xf32, #tpu.memory_space<vmem_shared>> -> memref<10240x128xf32, #tpu.memory_space<vmem_shared>>
        tpu.enqueue_indirect_dma source(%arg9 : memref<128x128xf32, #tpu.memory_space<vmem>>) target(%dma_start3A_23 : memref<10240x128xf32, #tpu.memory_space<vmem_shared>>) offsets(%dma_start3A_20 : memref<128xi32, #tpu.memory_space<vmem>>) semaphore(%run_scoped3A : memref<!tpu.dma_semaphore, #tpu.memory_space<semaphore_mem>>) {add = true}
        %dma_wait3A = arith.constant 0 : i32
        %dma_wait3A_24 = tpu.memref_slice %arg8[%add3A_18, %dma_wait3A] : memref<80x128xi32, #tpu.memory_space<vmem>> -> memref<1x128xi32, #tpu.memory_space<vmem>>
        %dma_wait3A_25 = tpu.memref_squeeze %dma_wait3A_24 : memref<1x128xi32, #tpu.memory_space<vmem>> -> memref<128xi32, #tpu.memory_space<vmem>>
        %dma_wait3A_26 = arith.constant 0 : i32
        %dma_wait3A_27 = arith.constant 0 : i32
        %dma_wait3A_28 = tpu.memref_slice %arg10[%dma_wait3A_26, %dma_wait3A_27] : memref<10240x128xf32, #tpu.memory_space<vmem_shared>> -> memref<10240x128xf32, #tpu.memory_space<vmem_shared>>
        tpu.wait_indirect_dma semaphore(%run_scoped3A : memref<!tpu.dma_semaphore, #tpu.memory_space<semaphore_mem>>) src(%arg9 : memref<128x128xf32, #tpu.memory_space<vmem>>) dst(%dma_wait3A_28 : memref<10240x128xf32, #tpu.memory_space<vmem_shared>>)
        tpu.yield
      }) : () -> ()
    }
    %scan3A_8 = arith.constant 80 : i32
    %barrier3A_9 = arith.constant 0 : index
    tpu.barrier barrier_id(%barrier3A_9)
    %mul3A_10 = arith.constant 640 : i32
    %mul3A_11 = arith.muli %arg1, %mul3A_10 : i32
    %mul3A_12 = arith.constant 640 : i32
    %mul3A_13 = arith.muli %arg1, %mul3A_12 : i32
    "tpu.region"() ({
      %run_scoped3A = tpu.sem_alloc : memref<!tpu.dma_semaphore, #tpu.memory_space<semaphore_mem>>
      %dma_start3A = arith.constant 0 : i32
      %dma_start3A_14 = tpu.memref_slice %arg6[%arg0, %mul3A_13, %dma_start3A] : memref<2x10240x128xf32, #tpu.memory_space<hbm>> -> memref<1x640x128xf32, #tpu.memory_space<hbm>>
      %dma_start3A_15 = tpu.memref_squeeze %dma_start3A_14 : memref<1x640x128xf32, #tpu.memory_space<hbm>> -> memref<640x128xf32, #tpu.memory_space<hbm>>
      %dma_start3A_16 = arith.constant 0 : i32
      %dma_start3A_17 = tpu.memref_slice %arg10[%mul3A_11, %dma_start3A_16] : memref<10240x128xf32, #tpu.memory_space<vmem_shared>> -> memref<640x128xf32, #tpu.memory_space<vmem_shared>>
      tpu.enqueue_dma source(%dma_start3A_17 : memref<640x128xf32, #tpu.memory_space<vmem_shared>>) target(%dma_start3A_15 : memref<640x128xf32, #tpu.memory_space<hbm>>) target_semaphore(%run_scoped3A : memref<!tpu.dma_semaphore, #tpu.memory_space<semaphore_mem>>)
      %dma_wait3A = arith.constant 0 : i32
      %dma_wait3A_18 = tpu.memref_slice %arg6[%arg0, %mul3A_13, %dma_wait3A] : memref<2x10240x128xf32, #tpu.memory_space<hbm>> -> memref<1x640x128xf32, #tpu.memory_space<hbm>>
      %dma_wait3A_19 = tpu.memref_squeeze %dma_wait3A_18 : memref<1x640x128xf32, #tpu.memory_space<hbm>> -> memref<640x128xf32, #tpu.memory_space<hbm>>
      %dma_wait3A_20 = arith.constant 0 : i32
      %dma_wait3A_21 = tpu.memref_slice %arg10[%mul3A_11, %dma_wait3A_20] : memref<10240x128xf32, #tpu.memory_space<vmem_shared>> -> memref<640x128xf32, #tpu.memory_space<vmem_shared>>
      tpu.wait_dma2 semaphore(%run_scoped3A : memref<!tpu.dma_semaphore, #tpu.memory_space<semaphore_mem>>) src(%dma_wait3A_21 : memref<640x128xf32, #tpu.memory_space<vmem_shared>>) dst(%dma_wait3A_19 : memref<640x128xf32, #tpu.memory_space<hbm>>)
      tpu.yield
    }) : () -> ()
    return
  }
}

#map = affine_map<(d0, d1) -> (0, 0)>
#map1 = affine_map<(d0, d1) -> (0, 0, 0)>
module attributes {stable_mosaic.version = 14 : i64} {
  func.func @run(%arg0: i32, %arg1: i32, %arg2: memref<10240x128xf32, #tpu.memory_space<hbm>>, %arg3: memref<32x80x128xi32, #tpu.memory_space<hbm>>, %arg4: memref<32x80x128xi32, #tpu.memory_space<hbm>>, %arg5: memref<10240x128xf32, #tpu.memory_space<hbm>>, %arg6: memref<2x10240x128xf32, #tpu.memory_space<hbm>>, %arg7: memref<80x128xi32, #tpu.memory_space<vmem>>, %arg8: memref<80x128xi32, #tpu.memory_space<vmem>>, %arg9: memref<128x128xf32, #tpu.memory_space<vmem>>, %arg10: memref<10240x128xf32, #tpu.memory_space<vmem_shared>>) attributes {dimension_semantics = [#tpu.dimension_semantics<core_parallel>, #tpu.dimension_semantics<subcore_parallel>], iteration_bounds = array<i64: 2, 16>, scalar_prefetch = 0 : i64, scratch_operands = 4 : i64, tpu.core_type = #tpu.core_type<sc_vector_subcore>, window_params = [{transform_indices = #map}, {transform_indices = #map1}, {transform_indices = #map1}, {transform_indices = #map}, {transform_indices = #map1}]} {
    %mul3A = arith.constant 16 : i32
    %mul3A_0 = arith.muli %arg0, %mul3A : i32
    %add3A = arith.addi %mul3A_0, %arg1 : i32
    "tpu.region"() ({
      %run_scoped3A = tpu.sem_alloc : memref<!tpu.dma_semaphore, #tpu.memory_space<semaphore_mem>>
      %dma_start3A = arith.constant 0 : i32
      %dma_start3A_14 = arith.constant 0 : i32
      %dma_start3A_15 = tpu.memref_slice %arg3[%add3A, %dma_start3A, %dma_start3A_14] : memref<32x80x128xi32, #tpu.memory_space<hbm>> -> memref<1x80x128xi32, #tpu.memory_space<hbm>>
      %dma_start3A_16 = tpu.memref_squeeze %dma_start3A_15 : memref<1x80x128xi32, #tpu.memory_space<hbm>> -> memref<80x128xi32, #tpu.memory_space<hbm>>
      %dma_start3A_17 = arith.constant 0 : i32
      %dma_start3A_18 = arith.constant 0 : i32
      %dma_start3A_19 = tpu.memref_slice %arg3[%add3A, %dma_start3A_17, %dma_start3A_18] : memref<32x80x128xi32, #tpu.memory_space<hbm>> -> memref<1x80x128xi32, #tpu.memory_space<hbm>>
      %dma_start3A_20 = tpu.memref_squeeze %dma_start3A_19 : memref<1x80x128xi32, #tpu.memory_space<hbm>> -> memref<80x128xi32, #tpu.memory_space<hbm>>
      tpu.enqueue_dma source(%dma_start3A_20 : memref<80x128xi32, #tpu.memory_space<hbm>>) target(%arg7 : memref<80x128xi32, #tpu.memory_space<vmem>>) target_semaphore(%run_scoped3A : memref<!tpu.dma_semaphore, #tpu.memory_space<semaphore_mem>>)
      %dma_wait3A = arith.constant 0 : i32
      %dma_wait3A_21 = arith.constant 0 : i32
      %dma_wait3A_22 = tpu.memref_slice %arg3[%add3A, %dma_wait3A, %dma_wait3A_21] : memref<32x80x128xi32, #tpu.memory_space<hbm>> -> memref<1x80x128xi32, #tpu.memory_space<hbm>>
      %dma_wait3A_23 = tpu.memref_squeeze %dma_wait3A_22 : memref<1x80x128xi32, #tpu.memory_space<hbm>> -> memref<80x128xi32, #tpu.memory_space<hbm>>
      %dma_wait3A_24 = arith.constant 0 : i32
      %dma_wait3A_25 = arith.constant 0 : i32
      %dma_wait3A_26 = tpu.memref_slice %arg3[%add3A, %dma_wait3A_24, %dma_wait3A_25] : memref<32x80x128xi32, #tpu.memory_space<hbm>> -> memref<1x80x128xi32, #tpu.memory_space<hbm>>
      %dma_wait3A_27 = tpu.memref_squeeze %dma_wait3A_26 : memref<1x80x128xi32, #tpu.memory_space<hbm>> -> memref<80x128xi32, #tpu.memory_space<hbm>>
      tpu.wait_dma2 semaphore(%run_scoped3A : memref<!tpu.dma_semaphore, #tpu.memory_space<semaphore_mem>>) src(%dma_wait3A_27 : memref<80x128xi32, #tpu.memory_space<hbm>>) dst(%arg7 : memref<80x128xi32, #tpu.memory_space<vmem>>)
      tpu.yield
    }) : () -> ()
    "tpu.region"() ({
      %run_scoped3A = tpu.sem_alloc : memref<!tpu.dma_semaphore, #tpu.memory_space<semaphore_mem>>
      %dma_start3A = arith.constant 0 : i32
      %dma_start3A_14 = arith.constant 0 : i32
      %dma_start3A_15 = tpu.memref_slice %arg4[%add3A, %dma_start3A, %dma_start3A_14] : memref<32x80x128xi32, #tpu.memory_space<hbm>> -> memref<1x80x128xi32, #tpu.memory_space<hbm>>
      %dma_start3A_16 = tpu.memref_squeeze %dma_start3A_15 : memref<1x80x128xi32, #tpu.memory_space<hbm>> -> memref<80x128xi32, #tpu.memory_space<hbm>>
      %dma_start3A_17 = arith.constant 0 : i32
      %dma_start3A_18 = arith.constant 0 : i32
      %dma_start3A_19 = tpu.memref_slice %arg4[%add3A, %dma_start3A_17, %dma_start3A_18] : memref<32x80x128xi32, #tpu.memory_space<hbm>> -> memref<1x80x128xi32, #tpu.memory_space<hbm>>
      %dma_start3A_20 = tpu.memref_squeeze %dma_start3A_19 : memref<1x80x128xi32, #tpu.memory_space<hbm>> -> memref<80x128xi32, #tpu.memory_space<hbm>>
      tpu.enqueue_dma source(%dma_start3A_20 : memref<80x128xi32, #tpu.memory_space<hbm>>) target(%arg8 : memref<80x128xi32, #tpu.memory_space<vmem>>) target_semaphore(%run_scoped3A : memref<!tpu.dma_semaphore, #tpu.memory_space<semaphore_mem>>)
      %dma_wait3A = arith.constant 0 : i32
      %dma_wait3A_21 = arith.constant 0 : i32
      %dma_wait3A_22 = tpu.memref_slice %arg4[%add3A, %dma_wait3A, %dma_wait3A_21] : memref<32x80x128xi32, #tpu.memory_space<hbm>> -> memref<1x80x128xi32, #tpu.memory_space<hbm>>
      %dma_wait3A_23 = tpu.memref_squeeze %dma_wait3A_22 : memref<1x80x128xi32, #tpu.memory_space<hbm>> -> memref<80x128xi32, #tpu.memory_space<hbm>>
      %dma_wait3A_24 = arith.constant 0 : i32
      %dma_wait3A_25 = arith.constant 0 : i32
      %dma_wait3A_26 = tpu.memref_slice %arg4[%add3A, %dma_wait3A_24, %dma_wait3A_25] : memref<32x80x128xi32, #tpu.memory_space<hbm>> -> memref<1x80x128xi32, #tpu.memory_space<hbm>>
      %dma_wait3A_27 = tpu.memref_squeeze %dma_wait3A_26 : memref<1x80x128xi32, #tpu.memory_space<hbm>> -> memref<80x128xi32, #tpu.memory_space<hbm>>
      tpu.wait_dma2 semaphore(%run_scoped3A : memref<!tpu.dma_semaphore, #tpu.memory_space<semaphore_mem>>) src(%dma_wait3A_27 : memref<80x128xi32, #tpu.memory_space<hbm>>) dst(%arg8 : memref<80x128xi32, #tpu.memory_space<vmem>>)
      tpu.yield
    }) : () -> ()
    %mul3A_1 = arith.constant 640 : i32
    %mul3A_2 = arith.muli %arg1, %mul3A_1 : i32
    %mul3A_3 = arith.constant 640 : i32
    %mul3A_4 = arith.muli %arg1, %mul3A_3 : i32
    "tpu.region"() ({
      %run_scoped3A = tpu.sem_alloc : memref<!tpu.dma_semaphore, #tpu.memory_space<semaphore_mem>>
      %dma_start3A = arith.constant 0 : i32
      %dma_start3A_14 = tpu.memref_slice %arg10[%mul3A_4, %dma_start3A] : memref<10240x128xf32, #tpu.memory_space<vmem_shared>> -> memref<640x128xf32, #tpu.memory_space<vmem_shared>>
      %dma_start3A_15 = arith.constant 0 : i32
      %dma_start3A_16 = tpu.memref_slice %arg5[%mul3A_2, %dma_start3A_15] : memref<10240x128xf32, #tpu.memory_space<hbm>> -> memref<640x128xf32, #tpu.memory_space<hbm>>
      tpu.enqueue_dma source(%dma_start3A_16 : memref<640x128xf32, #tpu.memory_space<hbm>>) target(%dma_start3A_14 : memref<640x128xf32, #tpu.memory_space<vmem_shared>>) target_semaphore(%run_scoped3A : memref<!tpu.dma_semaphore, #tpu.memory_space<semaphore_mem>>)
      %dma_wait3A = arith.constant 0 : i32
      %dma_wait3A_17 = tpu.memref_slice %arg10[%mul3A_4, %dma_wait3A] : memref<10240x128xf32, #tpu.memory_space<vmem_shared>> -> memref<640x128xf32, #tpu.memory_space<vmem_shared>>
      %dma_wait3A_18 = arith.constant 0 : i32
      %dma_wait3A_19 = tpu.memref_slice %arg5[%mul3A_2, %dma_wait3A_18] : memref<10240x128xf32, #tpu.memory_space<hbm>> -> memref<640x128xf32, #tpu.memory_space<hbm>>
      tpu.wait_dma2 semaphore(%run_scoped3A : memref<!tpu.dma_semaphore, #tpu.memory_space<semaphore_mem>>) src(%dma_wait3A_19 : memref<640x128xf32, #tpu.memory_space<hbm>>) dst(%dma_wait3A_17 : memref<640x128xf32, #tpu.memory_space<vmem_shared>>)
      tpu.yield
    }) : () -> ()
    %barrier3A = arith.constant 0 : index
    tpu.barrier barrier_id(%barrier3A)
    %scan3A = arith.constant 0 : i32
    %scan3A_5 = arith.constant 80 : i32
    %scan3A_6 = arith.addi %scan3A, %scan3A_5 : i32
    %scan3A_7 = arith.constant 1 : i32
    scf.for %scan3A_14 = %scan3A to %scan3A_6 step %scan3A_7  : i32 {
      %mul3A_15 = arith.constant 1 : i32
      %mul3A_16 = arith.muli %scan3A_14, %mul3A_15 : i32
      %add3A_17 = arith.constant 0 : i32
      %add3A_18 = arith.addi %add3A_17, %mul3A_16 : i32
      "tpu.region"() ({
        %run_scoped3A = tpu.sem_alloc : memref<!tpu.dma_semaphore, #tpu.memory_space<semaphore_mem>>
        %dma_start3A = arith.constant 0 : i32
        %dma_start3A_19 = tpu.memref_slice %arg7[%add3A_18, %dma_start3A] : memref<80x128xi32, #tpu.memory_space<vmem>> -> memref<1x128xi32, #tpu.memory_space<vmem>>
        %dma_start3A_20 = tpu.memref_squeeze %dma_start3A_19 : memref<1x128xi32, #tpu.memory_space<vmem>> -> memref<128xi32, #tpu.memory_space<vmem>>
        %dma_start3A_21 = arith.constant 0 : i32
        %dma_start3A_22 = arith.constant 0 : i32
        %dma_start3A_23 = tpu.memref_slice %arg2[%dma_start3A_21, %dma_start3A_22] : memref<10240x128xf32, #tpu.memory_space<hbm>> -> memref<10240x128xf32, #tpu.memory_space<hbm>>
        tpu.enqueue_indirect_dma source(%dma_start3A_23 : memref<10240x128xf32, #tpu.memory_space<hbm>>) target(%arg9 : memref<128x128xf32, #tpu.memory_space<vmem>>) offsets(%dma_start3A_20 : memref<128xi32, #tpu.memory_space<vmem>>) semaphore(%run_scoped3A : memref<!tpu.dma_semaphore, #tpu.memory_space<semaphore_mem>>)
        %dma_wait3A = arith.constant 0 : i32
        %dma_wait3A_24 = tpu.memref_slice %arg7[%add3A_18, %dma_wait3A] : memref<80x128xi32, #tpu.memory_space<vmem>> -> memref<1x128xi32, #tpu.memory_space<vmem>>
        %dma_wait3A_25 = tpu.memref_squeeze %dma_wait3A_24 : memref<1x128xi32, #tpu.memory_space<vmem>> -> memref<128xi32, #tpu.memory_space<vmem>>
        %dma_wait3A_26 = arith.constant 0 : i32
        %dma_wait3A_27 = arith.constant 0 : i32
        %dma_wait3A_28 = tpu.memref_slice %arg2[%dma_wait3A_26, %dma_wait3A_27] : memref<10240x128xf32, #tpu.memory_space<hbm>> -> memref<10240x128xf32, #tpu.memory_space<hbm>>
        tpu.wait_indirect_dma semaphore(%run_scoped3A : memref<!tpu.dma_semaphore, #tpu.memory_space<semaphore_mem>>) src(%dma_wait3A_28 : memref<10240x128xf32, #tpu.memory_space<hbm>>) dst(%arg9 : memref<128x128xf32, #tpu.memory_space<vmem>>)
        tpu.yield
      }) : () -> ()
      "tpu.region"() ({
        %run_scoped3A = tpu.sem_alloc : memref<!tpu.dma_semaphore, #tpu.memory_space<semaphore_mem>>
        %dma_start3A = arith.constant 0 : i32
        %dma_start3A_19 = tpu.memref_slice %arg8[%add3A_18, %dma_start3A] : memref<80x128xi32, #tpu.memory_space<vmem>> -> memref<1x128xi32, #tpu.memory_space<vmem>>
        %dma_start3A_20 = tpu.memref_squeeze %dma_start3A_19 : memref<1x128xi32, #tpu.memory_space<vmem>> -> memref<128xi32, #tpu.memory_space<vmem>>
        %dma_start3A_21 = arith.constant 0 : i32
        %dma_start3A_22 = arith.constant 0 : i32
        %dma_start3A_23 = tpu.memref_slice %arg10[%dma_start3A_21, %dma_start3A_22] : memref<10240x128xf32, #tpu.memory_space<vmem_shared>> -> memref<10240x128xf32, #tpu.memory_space<vmem_shared>>
        tpu.enqueue_indirect_dma source(%arg9 : memref<128x128xf32, #tpu.memory_space<vmem>>) target(%dma_start3A_23 : memref<10240x128xf32, #tpu.memory_space<vmem_shared>>) offsets(%dma_start3A_20 : memref<128xi32, #tpu.memory_space<vmem>>) semaphore(%run_scoped3A : memref<!tpu.dma_semaphore, #tpu.memory_space<semaphore_mem>>) {add = true}
        %dma_wait3A = arith.constant 0 : i32
        %dma_wait3A_24 = tpu.memref_slice %arg8[%add3A_18, %dma_wait3A] : memref<80x128xi32, #tpu.memory_space<vmem>> -> memref<1x128xi32, #tpu.memory_space<vmem>>
        %dma_wait3A_25 = tpu.memref_squeeze %dma_wait3A_24 : memref<1x128xi32, #tpu.memory_space<vmem>> -> memref<128xi32, #tpu.memory_space<vmem>>
        %dma_wait3A_26 = arith.constant 0 : i32
        %dma_wait3A_27 = arith.constant 0 : i32
        %dma_wait3A_28 = tpu.memref_slice %arg10[%dma_wait3A_26, %dma_wait3A_27] : memref<10240x128xf32, #tpu.memory_space<vmem_shared>> -> memref<10240x128xf32, #tpu.memory_space<vmem_shared>>
        tpu.wait_indirect_dma semaphore(%run_scoped3A : memref<!tpu.dma_semaphore, #tpu.memory_space<semaphore_mem>>) src(%arg9 : memref<128x128xf32, #tpu.memory_space<vmem>>) dst(%dma_wait3A_28 : memref<10240x128xf32, #tpu.memory_space<vmem_shared>>)
        tpu.yield
      }) : () -> ()
    }
    %scan3A_8 = arith.constant 80 : i32
    %barrier3A_9 = arith.constant 0 : index
    tpu.barrier barrier_id(%barrier3A_9)
    %mul3A_10 = arith.constant 640 : i32
    %mul3A_11 = arith.muli %arg1, %mul3A_10 : i32
    %mul3A_12 = arith.constant 640 : i32
    %mul3A_13 = arith.muli %arg1, %mul3A_12 : i32
    "tpu.region"() ({
      %run_scoped3A = tpu.sem_alloc : memref<!tpu.dma_semaphore, #tpu.memory_space<semaphore_mem>>
      %dma_start3A = arith.constant 0 : i32
      %dma_start3A_14 = tpu.memref_slice %arg6[%arg0, %mul3A_13, %dma_start3A] : memref<2x10240x128xf32, #tpu.memory_space<hbm>> -> memref<1x640x128xf32, #tpu.memory_space<hbm>>
      %dma_start3A_15 = tpu.memref_squeeze %dma_start3A_14 : memref<1x640x128xf32, #tpu.memory_space<hbm>> -> memref<640x128xf32, #tpu.memory_space<hbm>>
      %dma_start3A_16 = arith.constant 0 : i32
      %dma_start3A_17 = tpu.memref_slice %arg10[%mul3A_11, %dma_start3A_16] : memref<10240x128xf32, #tpu.memory_space<vmem_shared>> -> memref<640x128xf32, #tpu.memory_space<vmem_shared>>
      tpu.enqueue_dma source(%dma_start3A_17 : memref<640x128xf32, #tpu.memory_space<vmem_shared>>) target(%dma_start3A_15 : memref<640x128xf32, #tpu.memory_space<hbm>>) target_semaphore(%run_scoped3A : memref<!tpu.dma_semaphore, #tpu.memory_space<semaphore_mem>>)
      %dma_wait3A = arith.constant 0 : i32
      %dma_wait3A_18 = tpu.memref_slice %arg6[%arg0, %mul3A_13, %dma_wait3A] : memref<2x10240x128xf32, #tpu.memory_space<hbm>> -> memref<1x640x128xf32, #tpu.memory_space<hbm>>
      %dma_wait3A_19 = tpu.memref_squeeze %dma_wait3A_18 : memref<1x640x128xf32, #tpu.memory_space<hbm>> -> memref<640x128xf32, #tpu.memory_space<hbm>>
      %dma_wait3A_20 = arith.constant 0 : i32
      %dma_wait3A_21 = tpu.memref_slice %arg10[%mul3A_11, %dma_wait3A_20] : memref<10240x128xf32, #tpu.memory_space<vmem_shared>> -> memref<640x128xf32, #tpu.memory_space<vmem_shared>>
      tpu.wait_dma2 semaphore(%run_scoped3A : memref<!tpu.dma_semaphore, #tpu.memory_space<semaphore_mem>>) src(%dma_wait3A_21 : memref<640x128xf32, #tpu.memory_space<vmem_shared>>) dst(%dma_wait3A_19 : memref<640x128xf32, #tpu.memory_space<hbm>>)
      tpu.yield
    }) : () -> ()
    return
  }
}

#map = affine_map<(d0, d1) -> (0, 0)>
#map1 = affine_map<(d0, d1) -> (0, 0, 0)>
module attributes {stable_mosaic.version = 14 : i64} {
  func.func @run(%arg0: i32, %arg1: i32, %arg2: memref<10240x128xf32, #tpu.memory_space<hbm>>, %arg3: memref<32x80x128xi32, #tpu.memory_space<hbm>>, %arg4: memref<32x80x128xi32, #tpu.memory_space<hbm>>, %arg5: memref<10240x128xf32, #tpu.memory_space<hbm>>, %arg6: memref<2x10240x128xf32, #tpu.memory_space<hbm>>, %arg7: memref<80x128xi32, #tpu.memory_space<vmem>>, %arg8: memref<80x128xi32, #tpu.memory_space<vmem>>, %arg9: memref<128x128xf32, #tpu.memory_space<vmem>>, %arg10: memref<10240x128xf32, #tpu.memory_space<vmem_shared>>) attributes {dimension_semantics = [#tpu.dimension_semantics<core_parallel>, #tpu.dimension_semantics<subcore_parallel>], iteration_bounds = array<i64: 2, 16>, scalar_prefetch = 0 : i64, scratch_operands = 4 : i64, tpu.core_type = #tpu.core_type<sc_vector_subcore>, window_params = [{transform_indices = #map}, {transform_indices = #map1}, {transform_indices = #map1}, {transform_indices = #map}, {transform_indices = #map1}]} {
    %mul3A = arith.constant 16 : i32
    %mul3A_0 = arith.muli %arg0, %mul3A : i32
    %add3A = arith.addi %mul3A_0, %arg1 : i32
    "tpu.region"() ({
      %run_scoped3A = tpu.sem_alloc : memref<!tpu.dma_semaphore, #tpu.memory_space<semaphore_mem>>
      %dma_start3A = arith.constant 0 : i32
      %dma_start3A_14 = arith.constant 0 : i32
      %dma_start3A_15 = tpu.memref_slice %arg3[%add3A, %dma_start3A, %dma_start3A_14] : memref<32x80x128xi32, #tpu.memory_space<hbm>> -> memref<1x80x128xi32, #tpu.memory_space<hbm>>
      %dma_start3A_16 = tpu.memref_squeeze %dma_start3A_15 : memref<1x80x128xi32, #tpu.memory_space<hbm>> -> memref<80x128xi32, #tpu.memory_space<hbm>>
      %dma_start3A_17 = arith.constant 0 : i32
      %dma_start3A_18 = arith.constant 0 : i32
      %dma_start3A_19 = tpu.memref_slice %arg3[%add3A, %dma_start3A_17, %dma_start3A_18] : memref<32x80x128xi32, #tpu.memory_space<hbm>> -> memref<1x80x128xi32, #tpu.memory_space<hbm>>
      %dma_start3A_20 = tpu.memref_squeeze %dma_start3A_19 : memref<1x80x128xi32, #tpu.memory_space<hbm>> -> memref<80x128xi32, #tpu.memory_space<hbm>>
      tpu.enqueue_dma source(%dma_start3A_20 : memref<80x128xi32, #tpu.memory_space<hbm>>) target(%arg7 : memref<80x128xi32, #tpu.memory_space<vmem>>) target_semaphore(%run_scoped3A : memref<!tpu.dma_semaphore, #tpu.memory_space<semaphore_mem>>)
      %dma_wait3A = arith.constant 0 : i32
      %dma_wait3A_21 = arith.constant 0 : i32
      %dma_wait3A_22 = tpu.memref_slice %arg3[%add3A, %dma_wait3A, %dma_wait3A_21] : memref<32x80x128xi32, #tpu.memory_space<hbm>> -> memref<1x80x128xi32, #tpu.memory_space<hbm>>
      %dma_wait3A_23 = tpu.memref_squeeze %dma_wait3A_22 : memref<1x80x128xi32, #tpu.memory_space<hbm>> -> memref<80x128xi32, #tpu.memory_space<hbm>>
      %dma_wait3A_24 = arith.constant 0 : i32
      %dma_wait3A_25 = arith.constant 0 : i32
      %dma_wait3A_26 = tpu.memref_slice %arg3[%add3A, %dma_wait3A_24, %dma_wait3A_25] : memref<32x80x128xi32, #tpu.memory_space<hbm>> -> memref<1x80x128xi32, #tpu.memory_space<hbm>>
      %dma_wait3A_27 = tpu.memref_squeeze %dma_wait3A_26 : memref<1x80x128xi32, #tpu.memory_space<hbm>> -> memref<80x128xi32, #tpu.memory_space<hbm>>
      tpu.wait_dma2 semaphore(%run_scoped3A : memref<!tpu.dma_semaphore, #tpu.memory_space<semaphore_mem>>) src(%dma_wait3A_27 : memref<80x128xi32, #tpu.memory_space<hbm>>) dst(%arg7 : memref<80x128xi32, #tpu.memory_space<vmem>>)
      tpu.yield
    }) : () -> ()
    "tpu.region"() ({
      %run_scoped3A = tpu.sem_alloc : memref<!tpu.dma_semaphore, #tpu.memory_space<semaphore_mem>>
      %dma_start3A = arith.constant 0 : i32
      %dma_start3A_14 = arith.constant 0 : i32
      %dma_start3A_15 = tpu.memref_slice %arg4[%add3A, %dma_start3A, %dma_start3A_14] : memref<32x80x128xi32, #tpu.memory_space<hbm>> -> memref<1x80x128xi32, #tpu.memory_space<hbm>>
      %dma_start3A_16 = tpu.memref_squeeze %dma_start3A_15 : memref<1x80x128xi32, #tpu.memory_space<hbm>> -> memref<80x128xi32, #tpu.memory_space<hbm>>
      %dma_start3A_17 = arith.constant 0 : i32
      %dma_start3A_18 = arith.constant 0 : i32
      %dma_start3A_19 = tpu.memref_slice %arg4[%add3A, %dma_start3A_17, %dma_start3A_18] : memref<32x80x128xi32, #tpu.memory_space<hbm>> -> memref<1x80x128xi32, #tpu.memory_space<hbm>>
      %dma_start3A_20 = tpu.memref_squeeze %dma_start3A_19 : memref<1x80x128xi32, #tpu.memory_space<hbm>> -> memref<80x128xi32, #tpu.memory_space<hbm>>
      tpu.enqueue_dma source(%dma_start3A_20 : memref<80x128xi32, #tpu.memory_space<hbm>>) target(%arg8 : memref<80x128xi32, #tpu.memory_space<vmem>>) target_semaphore(%run_scoped3A : memref<!tpu.dma_semaphore, #tpu.memory_space<semaphore_mem>>)
      %dma_wait3A = arith.constant 0 : i32
      %dma_wait3A_21 = arith.constant 0 : i32
      %dma_wait3A_22 = tpu.memref_slice %arg4[%add3A, %dma_wait3A, %dma_wait3A_21] : memref<32x80x128xi32, #tpu.memory_space<hbm>> -> memref<1x80x128xi32, #tpu.memory_space<hbm>>
      %dma_wait3A_23 = tpu.memref_squeeze %dma_wait3A_22 : memref<1x80x128xi32, #tpu.memory_space<hbm>> -> memref<80x128xi32, #tpu.memory_space<hbm>>
      %dma_wait3A_24 = arith.constant 0 : i32
      %dma_wait3A_25 = arith.constant 0 : i32
      %dma_wait3A_26 = tpu.memref_slice %arg4[%add3A, %dma_wait3A_24, %dma_wait3A_25] : memref<32x80x128xi32, #tpu.memory_space<hbm>> -> memref<1x80x128xi32, #tpu.memory_space<hbm>>
      %dma_wait3A_27 = tpu.memref_squeeze %dma_wait3A_26 : memref<1x80x128xi32, #tpu.memory_space<hbm>> -> memref<80x128xi32, #tpu.memory_space<hbm>>
      tpu.wait_dma2 semaphore(%run_scoped3A : memref<!tpu.dma_semaphore, #tpu.memory_space<semaphore_mem>>) src(%dma_wait3A_27 : memref<80x128xi32, #tpu.memory_space<hbm>>) dst(%arg8 : memref<80x128xi32, #tpu.memory_space<vmem>>)
      tpu.yield
    }) : () -> ()
    %mul3A_1 = arith.constant 640 : i32
    %mul3A_2 = arith.muli %arg1, %mul3A_1 : i32
    %mul3A_3 = arith.constant 640 : i32
    %mul3A_4 = arith.muli %arg1, %mul3A_3 : i32
    "tpu.region"() ({
      %run_scoped3A = tpu.sem_alloc : memref<!tpu.dma_semaphore, #tpu.memory_space<semaphore_mem>>
      %dma_start3A = arith.constant 0 : i32
      %dma_start3A_14 = tpu.memref_slice %arg10[%mul3A_4, %dma_start3A] : memref<10240x128xf32, #tpu.memory_space<vmem_shared>> -> memref<640x128xf32, #tpu.memory_space<vmem_shared>>
      %dma_start3A_15 = arith.constant 0 : i32
      %dma_start3A_16 = tpu.memref_slice %arg5[%mul3A_2, %dma_start3A_15] : memref<10240x128xf32, #tpu.memory_space<hbm>> -> memref<640x128xf32, #tpu.memory_space<hbm>>
      tpu.enqueue_dma source(%dma_start3A_16 : memref<640x128xf32, #tpu.memory_space<hbm>>) target(%dma_start3A_14 : memref<640x128xf32, #tpu.memory_space<vmem_shared>>) target_semaphore(%run_scoped3A : memref<!tpu.dma_semaphore, #tpu.memory_space<semaphore_mem>>)
      %dma_wait3A = arith.constant 0 : i32
      %dma_wait3A_17 = tpu.memref_slice %arg10[%mul3A_4, %dma_wait3A] : memref<10240x128xf32, #tpu.memory_space<vmem_shared>> -> memref<640x128xf32, #tpu.memory_space<vmem_shared>>
      %dma_wait3A_18 = arith.constant 0 : i32
      %dma_wait3A_19 = tpu.memref_slice %arg5[%mul3A_2, %dma_wait3A_18] : memref<10240x128xf32, #tpu.memory_space<hbm>> -> memref<640x128xf32, #tpu.memory_space<hbm>>
      tpu.wait_dma2 semaphore(%run_scoped3A : memref<!tpu.dma_semaphore, #tpu.memory_space<semaphore_mem>>) src(%dma_wait3A_19 : memref<640x128xf32, #tpu.memory_space<hbm>>) dst(%dma_wait3A_17 : memref<640x128xf32, #tpu.memory_space<vmem_shared>>)
      tpu.yield
    }) : () -> ()
    %barrier3A = arith.constant 0 : index
    tpu.barrier barrier_id(%barrier3A)
    %scan3A = arith.constant 0 : i32
    %scan3A_5 = arith.constant 80 : i32
    %scan3A_6 = arith.addi %scan3A, %scan3A_5 : i32
    %scan3A_7 = arith.constant 1 : i32
    scf.for %scan3A_14 = %scan3A to %scan3A_6 step %scan3A_7  : i32 {
      %mul3A_15 = arith.constant 1 : i32
      %mul3A_16 = arith.muli %scan3A_14, %mul3A_15 : i32
      %add3A_17 = arith.constant 0 : i32
      %add3A_18 = arith.addi %add3A_17, %mul3A_16 : i32
      "tpu.region"() ({
        %run_scoped3A = tpu.sem_alloc : memref<!tpu.dma_semaphore, #tpu.memory_space<semaphore_mem>>
        %dma_start3A = arith.constant 0 : i32
        %dma_start3A_19 = tpu.memref_slice %arg7[%add3A_18, %dma_start3A] : memref<80x128xi32, #tpu.memory_space<vmem>> -> memref<1x128xi32, #tpu.memory_space<vmem>>
        %dma_start3A_20 = tpu.memref_squeeze %dma_start3A_19 : memref<1x128xi32, #tpu.memory_space<vmem>> -> memref<128xi32, #tpu.memory_space<vmem>>
        %dma_start3A_21 = arith.constant 0 : i32
        %dma_start3A_22 = arith.constant 0 : i32
        %dma_start3A_23 = tpu.memref_slice %arg2[%dma_start3A_21, %dma_start3A_22] : memref<10240x128xf32, #tpu.memory_space<hbm>> -> memref<10240x128xf32, #tpu.memory_space<hbm>>
        tpu.enqueue_indirect_dma source(%dma_start3A_23 : memref<10240x128xf32, #tpu.memory_space<hbm>>) target(%arg9 : memref<128x128xf32, #tpu.memory_space<vmem>>) offsets(%dma_start3A_20 : memref<128xi32, #tpu.memory_space<vmem>>) semaphore(%run_scoped3A : memref<!tpu.dma_semaphore, #tpu.memory_space<semaphore_mem>>)
        %dma_wait3A = arith.constant 0 : i32
        %dma_wait3A_24 = tpu.memref_slice %arg7[%add3A_18, %dma_wait3A] : memref<80x128xi32, #tpu.memory_space<vmem>> -> memref<1x128xi32, #tpu.memory_space<vmem>>
        %dma_wait3A_25 = tpu.memref_squeeze %dma_wait3A_24 : memref<1x128xi32, #tpu.memory_space<vmem>> -> memref<128xi32, #tpu.memory_space<vmem>>
        %dma_wait3A_26 = arith.constant 0 : i32
        %dma_wait3A_27 = arith.constant 0 : i32
        %dma_wait3A_28 = tpu.memref_slice %arg2[%dma_wait3A_26, %dma_wait3A_27] : memref<10240x128xf32, #tpu.memory_space<hbm>> -> memref<10240x128xf32, #tpu.memory_space<hbm>>
        tpu.wait_indirect_dma semaphore(%run_scoped3A : memref<!tpu.dma_semaphore, #tpu.memory_space<semaphore_mem>>) src(%dma_wait3A_28 : memref<10240x128xf32, #tpu.memory_space<hbm>>) dst(%arg9 : memref<128x128xf32, #tpu.memory_space<vmem>>)
        tpu.yield
      }) : () -> ()
      "tpu.region"() ({
        %run_scoped3A = tpu.sem_alloc : memref<!tpu.dma_semaphore, #tpu.memory_space<semaphore_mem>>
        %dma_start3A = arith.constant 0 : i32
        %dma_start3A_19 = tpu.memref_slice %arg8[%add3A_18, %dma_start3A] : memref<80x128xi32, #tpu.memory_space<vmem>> -> memref<1x128xi32, #tpu.memory_space<vmem>>
        %dma_start3A_20 = tpu.memref_squeeze %dma_start3A_19 : memref<1x128xi32, #tpu.memory_space<vmem>> -> memref<128xi32, #tpu.memory_space<vmem>>
        %dma_start3A_21 = arith.constant 0 : i32
        %dma_start3A_22 = arith.constant 0 : i32
        %dma_start3A_23 = tpu.memref_slice %arg10[%dma_start3A_21, %dma_start3A_22] : memref<10240x128xf32, #tpu.memory_space<vmem_shared>> -> memref<10240x128xf32, #tpu.memory_space<vmem_shared>>
        tpu.enqueue_indirect_dma source(%arg9 : memref<128x128xf32, #tpu.memory_space<vmem>>) target(%dma_start3A_23 : memref<10240x128xf32, #tpu.memory_space<vmem_shared>>) offsets(%dma_start3A_20 : memref<128xi32, #tpu.memory_space<vmem>>) semaphore(%run_scoped3A : memref<!tpu.dma_semaphore, #tpu.memory_space<semaphore_mem>>) {add = true}
        %dma_wait3A = arith.constant 0 : i32
        %dma_wait3A_24 = tpu.memref_slice %arg8[%add3A_18, %dma_wait3A] : memref<80x128xi32, #tpu.memory_space<vmem>> -> memref<1x128xi32, #tpu.memory_space<vmem>>
        %dma_wait3A_25 = tpu.memref_squeeze %dma_wait3A_24 : memref<1x128xi32, #tpu.memory_space<vmem>> -> memref<128xi32, #tpu.memory_space<vmem>>
        %dma_wait3A_26 = arith.constant 0 : i32
        %dma_wait3A_27 = arith.constant 0 : i32
        %dma_wait3A_28 = tpu.memref_slice %arg10[%dma_wait3A_26, %dma_wait3A_27] : memref<10240x128xf32, #tpu.memory_space<vmem_shared>> -> memref<10240x128xf32, #tpu.memory_space<vmem_shared>>
        tpu.wait_indirect_dma semaphore(%run_scoped3A : memref<!tpu.dma_semaphore, #tpu.memory_space<semaphore_mem>>) src(%arg9 : memref<128x128xf32, #tpu.memory_space<vmem>>) dst(%dma_wait3A_28 : memref<10240x128xf32, #tpu.memory_space<vmem_shared>>)
        tpu.yield
      }) : () -> ()
    }
    %scan3A_8 = arith.constant 80 : i32
    %barrier3A_9 = arith.constant 0 : index
    tpu.barrier barrier_id(%barrier3A_9)
    %mul3A_10 = arith.constant 640 : i32
    %mul3A_11 = arith.muli %arg1, %mul3A_10 : i32
    %mul3A_12 = arith.constant 640 : i32
    %mul3A_13 = arith.muli %arg1, %mul3A_12 : i32
    "tpu.region"() ({
      %run_scoped3A = tpu.sem_alloc : memref<!tpu.dma_semaphore, #tpu.memory_space<semaphore_mem>>
      %dma_start3A = arith.constant 0 : i32
      %dma_start3A_14 = tpu.memref_slice %arg6[%arg0, %mul3A_13, %dma_start3A] : memref<2x10240x128xf32, #tpu.memory_space<hbm>> -> memref<1x640x128xf32, #tpu.memory_space<hbm>>
      %dma_start3A_15 = tpu.memref_squeeze %dma_start3A_14 : memref<1x640x128xf32, #tpu.memory_space<hbm>> -> memref<640x128xf32, #tpu.memory_space<hbm>>
      %dma_start3A_16 = arith.constant 0 : i32
      %dma_start3A_17 = tpu.memref_slice %arg10[%mul3A_11, %dma_start3A_16] : memref<10240x128xf32, #tpu.memory_space<vmem_shared>> -> memref<640x128xf32, #tpu.memory_space<vmem_shared>>
      tpu.enqueue_dma source(%dma_start3A_17 : memref<640x128xf32, #tpu.memory_space<vmem_shared>>) target(%dma_start3A_15 : memref<640x128xf32, #tpu.memory_space<hbm>>) target_semaphore(%run_scoped3A : memref<!tpu.dma_semaphore, #tpu.memory_space<semaphore_mem>>)
      %dma_wait3A = arith.constant 0 : i32
      %dma_wait3A_18 = tpu.memref_slice %arg6[%arg0, %mul3A_13, %dma_wait3A] : memref<2x10240x128xf32, #tpu.memory_space<hbm>> -> memref<1x640x128xf32, #tpu.memory_space<hbm>>
      %dma_wait3A_19 = tpu.memref_squeeze %dma_wait3A_18 : memref<1x640x128xf32, #tpu.memory_space<hbm>> -> memref<640x128xf32, #tpu.memory_space<hbm>>
      %dma_wait3A_20 = arith.constant 0 : i32
      %dma_wait3A_21 = tpu.memref_slice %arg10[%mul3A_11, %dma_wait3A_20] : memref<10240x128xf32, #tpu.memory_space<vmem_shared>> -> memref<640x128xf32, #tpu.memory_space<vmem_shared>>
      tpu.wait_dma2 semaphore(%run_scoped3A : memref<!tpu.dma_semaphore, #tpu.memory_space<semaphore_mem>>) src(%dma_wait3A_21 : memref<640x128xf32, #tpu.memory_space<vmem_shared>>) dst(%dma_wait3A_19 : memref<640x128xf32, #tpu.memory_space<hbm>>)
      tpu.yield
    }) : () -> ()
    return
  }
}

#map = affine_map<(d0, d1) -> (0, 0)>
#map1 = affine_map<(d0, d1) -> (0, 0, 0)>
module attributes {stable_mosaic.version = 14 : i64} {
  func.func @run(%arg0: i32, %arg1: i32, %arg2: memref<10240x128xf32, #tpu.memory_space<hbm>>, %arg3: memref<32x80x128xi32, #tpu.memory_space<hbm>>, %arg4: memref<32x80x128xi32, #tpu.memory_space<hbm>>, %arg5: memref<10240x128xf32, #tpu.memory_space<hbm>>, %arg6: memref<2x10240x128xf32, #tpu.memory_space<hbm>>, %arg7: memref<80x128xi32, #tpu.memory_space<vmem>>, %arg8: memref<80x128xi32, #tpu.memory_space<vmem>>, %arg9: memref<128x128xf32, #tpu.memory_space<vmem>>, %arg10: memref<10240x128xf32, #tpu.memory_space<vmem_shared>>) attributes {dimension_semantics = [#tpu.dimension_semantics<core_parallel>, #tpu.dimension_semantics<subcore_parallel>], iteration_bounds = array<i64: 2, 16>, scalar_prefetch = 0 : i64, scratch_operands = 4 : i64, tpu.core_type = #tpu.core_type<sc_vector_subcore>, window_params = [{transform_indices = #map}, {transform_indices = #map1}, {transform_indices = #map1}, {transform_indices = #map}, {transform_indices = #map1}]} {
    %mul3A = arith.constant 16 : i32
    %mul3A_0 = arith.muli %arg0, %mul3A : i32
    %add3A = arith.addi %mul3A_0, %arg1 : i32
    "tpu.region"() ({
      %run_scoped3A = tpu.sem_alloc : memref<!tpu.dma_semaphore, #tpu.memory_space<semaphore_mem>>
      %dma_start3A = arith.constant 0 : i32
      %dma_start3A_14 = arith.constant 0 : i32
      %dma_start3A_15 = tpu.memref_slice %arg3[%add3A, %dma_start3A, %dma_start3A_14] : memref<32x80x128xi32, #tpu.memory_space<hbm>> -> memref<1x80x128xi32, #tpu.memory_space<hbm>>
      %dma_start3A_16 = tpu.memref_squeeze %dma_start3A_15 : memref<1x80x128xi32, #tpu.memory_space<hbm>> -> memref<80x128xi32, #tpu.memory_space<hbm>>
      %dma_start3A_17 = arith.constant 0 : i32
      %dma_start3A_18 = arith.constant 0 : i32
      %dma_start3A_19 = tpu.memref_slice %arg3[%add3A, %dma_start3A_17, %dma_start3A_18] : memref<32x80x128xi32, #tpu.memory_space<hbm>> -> memref<1x80x128xi32, #tpu.memory_space<hbm>>
      %dma_start3A_20 = tpu.memref_squeeze %dma_start3A_19 : memref<1x80x128xi32, #tpu.memory_space<hbm>> -> memref<80x128xi32, #tpu.memory_space<hbm>>
      tpu.enqueue_dma source(%dma_start3A_20 : memref<80x128xi32, #tpu.memory_space<hbm>>) target(%arg7 : memref<80x128xi32, #tpu.memory_space<vmem>>) target_semaphore(%run_scoped3A : memref<!tpu.dma_semaphore, #tpu.memory_space<semaphore_mem>>)
      %dma_wait3A = arith.constant 0 : i32
      %dma_wait3A_21 = arith.constant 0 : i32
      %dma_wait3A_22 = tpu.memref_slice %arg3[%add3A, %dma_wait3A, %dma_wait3A_21] : memref<32x80x128xi32, #tpu.memory_space<hbm>> -> memref<1x80x128xi32, #tpu.memory_space<hbm>>
      %dma_wait3A_23 = tpu.memref_squeeze %dma_wait3A_22 : memref<1x80x128xi32, #tpu.memory_space<hbm>> -> memref<80x128xi32, #tpu.memory_space<hbm>>
      %dma_wait3A_24 = arith.constant 0 : i32
      %dma_wait3A_25 = arith.constant 0 : i32
      %dma_wait3A_26 = tpu.memref_slice %arg3[%add3A, %dma_wait3A_24, %dma_wait3A_25] : memref<32x80x128xi32, #tpu.memory_space<hbm>> -> memref<1x80x128xi32, #tpu.memory_space<hbm>>
      %dma_wait3A_27 = tpu.memref_squeeze %dma_wait3A_26 : memref<1x80x128xi32, #tpu.memory_space<hbm>> -> memref<80x128xi32, #tpu.memory_space<hbm>>
      tpu.wait_dma2 semaphore(%run_scoped3A : memref<!tpu.dma_semaphore, #tpu.memory_space<semaphore_mem>>) src(%dma_wait3A_27 : memref<80x128xi32, #tpu.memory_space<hbm>>) dst(%arg7 : memref<80x128xi32, #tpu.memory_space<vmem>>)
      tpu.yield
    }) : () -> ()
    "tpu.region"() ({
      %run_scoped3A = tpu.sem_alloc : memref<!tpu.dma_semaphore, #tpu.memory_space<semaphore_mem>>
      %dma_start3A = arith.constant 0 : i32
      %dma_start3A_14 = arith.constant 0 : i32
      %dma_start3A_15 = tpu.memref_slice %arg4[%add3A, %dma_start3A, %dma_start3A_14] : memref<32x80x128xi32, #tpu.memory_space<hbm>> -> memref<1x80x128xi32, #tpu.memory_space<hbm>>
      %dma_start3A_16 = tpu.memref_squeeze %dma_start3A_15 : memref<1x80x128xi32, #tpu.memory_space<hbm>> -> memref<80x128xi32, #tpu.memory_space<hbm>>
      %dma_start3A_17 = arith.constant 0 : i32
      %dma_start3A_18 = arith.constant 0 : i32
      %dma_start3A_19 = tpu.memref_slice %arg4[%add3A, %dma_start3A_17, %dma_start3A_18] : memref<32x80x128xi32, #tpu.memory_space<hbm>> -> memref<1x80x128xi32, #tpu.memory_space<hbm>>
      %dma_start3A_20 = tpu.memref_squeeze %dma_start3A_19 : memref<1x80x128xi32, #tpu.memory_space<hbm>> -> memref<80x128xi32, #tpu.memory_space<hbm>>
      tpu.enqueue_dma source(%dma_start3A_20 : memref<80x128xi32, #tpu.memory_space<hbm>>) target(%arg8 : memref<80x128xi32, #tpu.memory_space<vmem>>) target_semaphore(%run_scoped3A : memref<!tpu.dma_semaphore, #tpu.memory_space<semaphore_mem>>)
      %dma_wait3A = arith.constant 0 : i32
      %dma_wait3A_21 = arith.constant 0 : i32
      %dma_wait3A_22 = tpu.memref_slice %arg4[%add3A, %dma_wait3A, %dma_wait3A_21] : memref<32x80x128xi32, #tpu.memory_space<hbm>> -> memref<1x80x128xi32, #tpu.memory_space<hbm>>
      %dma_wait3A_23 = tpu.memref_squeeze %dma_wait3A_22 : memref<1x80x128xi32, #tpu.memory_space<hbm>> -> memref<80x128xi32, #tpu.memory_space<hbm>>
      %dma_wait3A_24 = arith.constant 0 : i32
      %dma_wait3A_25 = arith.constant 0 : i32
      %dma_wait3A_26 = tpu.memref_slice %arg4[%add3A, %dma_wait3A_24, %dma_wait3A_25] : memref<32x80x128xi32, #tpu.memory_space<hbm>> -> memref<1x80x128xi32, #tpu.memory_space<hbm>>
      %dma_wait3A_27 = tpu.memref_squeeze %dma_wait3A_26 : memref<1x80x128xi32, #tpu.memory_space<hbm>> -> memref<80x128xi32, #tpu.memory_space<hbm>>
      tpu.wait_dma2 semaphore(%run_scoped3A : memref<!tpu.dma_semaphore, #tpu.memory_space<semaphore_mem>>) src(%dma_wait3A_27 : memref<80x128xi32, #tpu.memory_space<hbm>>) dst(%arg8 : memref<80x128xi32, #tpu.memory_space<vmem>>)
      tpu.yield
    }) : () -> ()
    %mul3A_1 = arith.constant 640 : i32
    %mul3A_2 = arith.muli %arg1, %mul3A_1 : i32
    %mul3A_3 = arith.constant 640 : i32
    %mul3A_4 = arith.muli %arg1, %mul3A_3 : i32
    "tpu.region"() ({
      %run_scoped3A = tpu.sem_alloc : memref<!tpu.dma_semaphore, #tpu.memory_space<semaphore_mem>>
      %dma_start3A = arith.constant 0 : i32
      %dma_start3A_14 = tpu.memref_slice %arg10[%mul3A_4, %dma_start3A] : memref<10240x128xf32, #tpu.memory_space<vmem_shared>> -> memref<640x128xf32, #tpu.memory_space<vmem_shared>>
      %dma_start3A_15 = arith.constant 0 : i32
      %dma_start3A_16 = tpu.memref_slice %arg5[%mul3A_2, %dma_start3A_15] : memref<10240x128xf32, #tpu.memory_space<hbm>> -> memref<640x128xf32, #tpu.memory_space<hbm>>
      tpu.enqueue_dma source(%dma_start3A_16 : memref<640x128xf32, #tpu.memory_space<hbm>>) target(%dma_start3A_14 : memref<640x128xf32, #tpu.memory_space<vmem_shared>>) target_semaphore(%run_scoped3A : memref<!tpu.dma_semaphore, #tpu.memory_space<semaphore_mem>>)
      %dma_wait3A = arith.constant 0 : i32
      %dma_wait3A_17 = tpu.memref_slice %arg10[%mul3A_4, %dma_wait3A] : memref<10240x128xf32, #tpu.memory_space<vmem_shared>> -> memref<640x128xf32, #tpu.memory_space<vmem_shared>>
      %dma_wait3A_18 = arith.constant 0 : i32
      %dma_wait3A_19 = tpu.memref_slice %arg5[%mul3A_2, %dma_wait3A_18] : memref<10240x128xf32, #tpu.memory_space<hbm>> -> memref<640x128xf32, #tpu.memory_space<hbm>>
      tpu.wait_dma2 semaphore(%run_scoped3A : memref<!tpu.dma_semaphore, #tpu.memory_space<semaphore_mem>>) src(%dma_wait3A_19 : memref<640x128xf32, #tpu.memory_space<hbm>>) dst(%dma_wait3A_17 : memref<640x128xf32, #tpu.memory_space<vmem_shared>>)
      tpu.yield
    }) : () -> ()
    %barrier3A = arith.constant 0 : index
    tpu.barrier barrier_id(%barrier3A)
    %scan3A = arith.constant 0 : i32
    %scan3A_5 = arith.constant 80 : i32
    %scan3A_6 = arith.addi %scan3A, %scan3A_5 : i32
    %scan3A_7 = arith.constant 1 : i32
    scf.for %scan3A_14 = %scan3A to %scan3A_6 step %scan3A_7  : i32 {
      %mul3A_15 = arith.constant 1 : i32
      %mul3A_16 = arith.muli %scan3A_14, %mul3A_15 : i32
      %add3A_17 = arith.constant 0 : i32
      %add3A_18 = arith.addi %add3A_17, %mul3A_16 : i32
      "tpu.region"() ({
        %run_scoped3A = tpu.sem_alloc : memref<!tpu.dma_semaphore, #tpu.memory_space<semaphore_mem>>
        %dma_start3A = arith.constant 0 : i32
        %dma_start3A_19 = tpu.memref_slice %arg7[%add3A_18, %dma_start3A] : memref<80x128xi32, #tpu.memory_space<vmem>> -> memref<1x128xi32, #tpu.memory_space<vmem>>
        %dma_start3A_20 = tpu.memref_squeeze %dma_start3A_19 : memref<1x128xi32, #tpu.memory_space<vmem>> -> memref<128xi32, #tpu.memory_space<vmem>>
        %dma_start3A_21 = arith.constant 0 : i32
        %dma_start3A_22 = arith.constant 0 : i32
        %dma_start3A_23 = tpu.memref_slice %arg2[%dma_start3A_21, %dma_start3A_22] : memref<10240x128xf32, #tpu.memory_space<hbm>> -> memref<10240x128xf32, #tpu.memory_space<hbm>>
        tpu.enqueue_indirect_dma source(%dma_start3A_23 : memref<10240x128xf32, #tpu.memory_space<hbm>>) target(%arg9 : memref<128x128xf32, #tpu.memory_space<vmem>>) offsets(%dma_start3A_20 : memref<128xi32, #tpu.memory_space<vmem>>) semaphore(%run_scoped3A : memref<!tpu.dma_semaphore, #tpu.memory_space<semaphore_mem>>)
        %dma_wait3A = arith.constant 0 : i32
        %dma_wait3A_24 = tpu.memref_slice %arg7[%add3A_18, %dma_wait3A] : memref<80x128xi32, #tpu.memory_space<vmem>> -> memref<1x128xi32, #tpu.memory_space<vmem>>
        %dma_wait3A_25 = tpu.memref_squeeze %dma_wait3A_24 : memref<1x128xi32, #tpu.memory_space<vmem>> -> memref<128xi32, #tpu.memory_space<vmem>>
        %dma_wait3A_26 = arith.constant 0 : i32
        %dma_wait3A_27 = arith.constant 0 : i32
        %dma_wait3A_28 = tpu.memref_slice %arg2[%dma_wait3A_26, %dma_wait3A_27] : memref<10240x128xf32, #tpu.memory_space<hbm>> -> memref<10240x128xf32, #tpu.memory_space<hbm>>
        tpu.wait_indirect_dma semaphore(%run_scoped3A : memref<!tpu.dma_semaphore, #tpu.memory_space<semaphore_mem>>) src(%dma_wait3A_28 : memref<10240x128xf32, #tpu.memory_space<hbm>>) dst(%arg9 : memref<128x128xf32, #tpu.memory_space<vmem>>)
        tpu.yield
      }) : () -> ()
      "tpu.region"() ({
        %run_scoped3A = tpu.sem_alloc : memref<!tpu.dma_semaphore, #tpu.memory_space<semaphore_mem>>
        %dma_start3A = arith.constant 0 : i32
        %dma_start3A_19 = tpu.memref_slice %arg8[%add3A_18, %dma_start3A] : memref<80x128xi32, #tpu.memory_space<vmem>> -> memref<1x128xi32, #tpu.memory_space<vmem>>
        %dma_start3A_20 = tpu.memref_squeeze %dma_start3A_19 : memref<1x128xi32, #tpu.memory_space<vmem>> -> memref<128xi32, #tpu.memory_space<vmem>>
        %dma_start3A_21 = arith.constant 0 : i32
        %dma_start3A_22 = arith.constant 0 : i32
        %dma_start3A_23 = tpu.memref_slice %arg10[%dma_start3A_21, %dma_start3A_22] : memref<10240x128xf32, #tpu.memory_space<vmem_shared>> -> memref<10240x128xf32, #tpu.memory_space<vmem_shared>>
        tpu.enqueue_indirect_dma source(%arg9 : memref<128x128xf32, #tpu.memory_space<vmem>>) target(%dma_start3A_23 : memref<10240x128xf32, #tpu.memory_space<vmem_shared>>) offsets(%dma_start3A_20 : memref<128xi32, #tpu.memory_space<vmem>>) semaphore(%run_scoped3A : memref<!tpu.dma_semaphore, #tpu.memory_space<semaphore_mem>>) {add = true}
        %dma_wait3A = arith.constant 0 : i32
        %dma_wait3A_24 = tpu.memref_slice %arg8[%add3A_18, %dma_wait3A] : memref<80x128xi32, #tpu.memory_space<vmem>> -> memref<1x128xi32, #tpu.memory_space<vmem>>
        %dma_wait3A_25 = tpu.memref_squeeze %dma_wait3A_24 : memref<1x128xi32, #tpu.memory_space<vmem>> -> memref<128xi32, #tpu.memory_space<vmem>>
        %dma_wait3A_26 = arith.constant 0 : i32
        %dma_wait3A_27 = arith.constant 0 : i32
        %dma_wait3A_28 = tpu.memref_slice %arg10[%dma_wait3A_26, %dma_wait3A_27] : memref<10240x128xf32, #tpu.memory_space<vmem_shared>> -> memref<10240x128xf32, #tpu.memory_space<vmem_shared>>
        tpu.wait_indirect_dma semaphore(%run_scoped3A : memref<!tpu.dma_semaphore, #tpu.memory_space<semaphore_mem>>) src(%arg9 : memref<128x128xf32, #tpu.memory_space<vmem>>) dst(%dma_wait3A_28 : memref<10240x128xf32, #tpu.memory_space<vmem_shared>>)
        tpu.yield
      }) : () -> ()
    }
    %scan3A_8 = arith.constant 80 : i32
    %barrier3A_9 = arith.constant 0 : index
    tpu.barrier barrier_id(%barrier3A_9)
    %mul3A_10 = arith.constant 640 : i32
    %mul3A_11 = arith.muli %arg1, %mul3A_10 : i32
    %mul3A_12 = arith.constant 640 : i32
    %mul3A_13 = arith.muli %arg1, %mul3A_12 : i32
    "tpu.region"() ({
      %run_scoped3A = tpu.sem_alloc : memref<!tpu.dma_semaphore, #tpu.memory_space<semaphore_mem>>
      %dma_start3A = arith.constant 0 : i32
      %dma_start3A_14 = tpu.memref_slice %arg6[%arg0, %mul3A_13, %dma_start3A] : memref<2x10240x128xf32, #tpu.memory_space<hbm>> -> memref<1x640x128xf32, #tpu.memory_space<hbm>>
      %dma_start3A_15 = tpu.memref_squeeze %dma_start3A_14 : memref<1x640x128xf32, #tpu.memory_space<hbm>> -> memref<640x128xf32, #tpu.memory_space<hbm>>
      %dma_start3A_16 = arith.constant 0 : i32
      %dma_start3A_17 = tpu.memref_slice %arg10[%mul3A_11, %dma_start3A_16] : memref<10240x128xf32, #tpu.memory_space<vmem_shared>> -> memref<640x128xf32, #tpu.memory_space<vmem_shared>>
      tpu.enqueue_dma source(%dma_start3A_17 : memref<640x128xf32, #tpu.memory_space<vmem_shared>>) target(%dma_start3A_15 : memref<640x128xf32, #tpu.memory_space<hbm>>) target_semaphore(%run_scoped3A : memref<!tpu.dma_semaphore, #tpu.memory_space<semaphore_mem>>)
      %dma_wait3A = arith.constant 0 : i32
      %dma_wait3A_18 = tpu.memref_slice %arg6[%arg0, %mul3A_13, %dma_wait3A] : memref<2x10240x128xf32, #tpu.memory_space<hbm>> -> memref<1x640x128xf32, #tpu.memory_space<hbm>>
      %dma_wait3A_19 = tpu.memref_squeeze %dma_wait3A_18 : memref<1x640x128xf32, #tpu.memory_space<hbm>> -> memref<640x128xf32, #tpu.memory_space<hbm>>
      %dma_wait3A_20 = arith.constant 0 : i32
      %dma_wait3A_21 = tpu.memref_slice %arg10[%mul3A_11, %dma_wait3A_20] : memref<10240x128xf32, #tpu.memory_space<vmem_shared>> -> memref<640x128xf32, #tpu.memory_space<vmem_shared>>
      tpu.wait_dma2 semaphore(%run_scoped3A : memref<!tpu.dma_semaphore, #tpu.memory_space<semaphore_mem>>) src(%dma_wait3A_21 : memref<640x128xf32, #tpu.memory_space<vmem_shared>>) dst(%dma_wait3A_19 : memref<640x128xf32, #tpu.memory_space<hbm>>)
      tpu.yield
    }) : () -> ()
    return
  }
}

module attributes {stable_mosaic.version = 14 : i64} {
  func.func @_prep_body(%arg0: i32, %arg1: memref<512x128xf32, #tpu.memory_space<vmem>>, %arg2: memref<128x128xf32, #tpu.memory_space<vmem>>, %arg3: memref<512x16xf32, #tpu.memory_space<vmem>>, %arg4: memref<512x16xf32, #tpu.memory_space<vmem>>, %arg5: memref<512x128xf32, #tpu.memory_space<vmem>>) attributes {dimension_semantics = [#tpu.dimension_semantics<arbitrary>], iteration_bounds = array<i64: 20>, scalar_prefetch = 0 : i64, scratch_operands = 0 : i64, tpu.core_type = #tpu.core_type<tc>, window_params = [{transform_indices = @transform_0, window_bounds = array<i64: 512, 128>}, {pipeline_mode = #tpu.pipeline_mode<synchronous>, transform_indices = @transform_1, window_bounds = array<i64: 128, 128>}, {transform_indices = @transform_2, window_bounds = array<i64: 512, 16>}, {transform_indices = @transform_3, window_bounds = array<i64: 512, 16>}, {transform_indices = @transform_4, window_bounds = array<i64: 512, 128>}]} {
    %get3A = arith.constant 0 : index
    %get3A_0 = arith.constant 0 : index
    %get3A_1 = vector.load %arg3[%get3A, %get3A_0] : memref<512x16xf32, #tpu.memory_space<vmem>>, vector<512x16xf32>
    %get3A_2 = arith.constant 0 : index
    %get3A_3 = arith.constant 0 : index
    %get3A_4 = vector.load %arg4[%get3A_2, %get3A_3] : memref<512x16xf32, #tpu.memory_space<vmem>>, vector<512x16xf32>
    %mul3A = arith.constant 512 : i32
    %mul3A_5 = arith.muli %arg0, %mul3A : i32
    %slice3A = vector.extract_strided_slice %get3A_1 {offsets = [0, 0], sizes = [512, 1], strides = [1, 1]} : vector<512x16xf32> to vector<512x1xf32>
    %slice3A_6 = vector.extract_strided_slice %get3A_4 {offsets = [0, 0], sizes = [512, 1], strides = [1, 1]} : vector<512x16xf32> to vector<512x1xf32>
    %add3A = arith.addf %slice3A, %slice3A_6 : vector<512x1xf32>
    %add3A_7 = arith.constant 1.000000e+00 : f32
    %add3A_8 = vector.broadcast %add3A_7 : f32 to vector<512x1xf32>
    %add3A_9 = arith.addf %add3A, %add3A_8 : vector<512x1xf32>
    %iota3A = tpu.iota {dimensions = array<i32: 0>} : vector<512x1xi32>
    %add3A_10 = vector.broadcast %mul3A_5 : i32 to vector<512x1xi32>
    %add3A_11 = arith.addi %add3A_10, %iota3A : vector<512x1xi32>
    %lt3A = arith.constant 10000 : i32
    %lt3A_12 = vector.broadcast %lt3A : i32 to vector<512x1xi32>
    %lt3A_13 = arith.cmpi slt, %add3A_11, %lt3A_12 : vector<512x1xi32>
    %rsqrt3A = math.rsqrt %add3A_9 : vector<512x1xf32>
    %jit3A = arith.constant 0.000000e+00 : f32
    %broadcast_in_dim3A = vector.broadcast %jit3A : f32 to vector<512x1xf32>
    %select_n3A = arith.select %lt3A_13, %rsqrt3A, %broadcast_in_dim3A : vector<512x1xi1>, vector<512x1xf32>
    %get3A_14 = arith.constant 0 : index
    %get3A_15 = arith.constant 0 : index
    %get3A_16 = vector.load %arg1[%get3A_14, %get3A_15] : memref<512x128xf32, #tpu.memory_space<vmem>>, vector<512x128xf32>
    %get3A_17 = arith.constant 0 : index
    %get3A_18 = arith.constant 0 : index
    %get3A_19 = vector.load %arg2[%get3A_17, %get3A_18] : memref<128x128xf32, #tpu.memory_space<vmem>>, vector<128x128xf32>
    %dot_general3A = arith.constant dense<0.000000e+00> : vector<512x128xf32>
    %dot_general3A_20 = tpu.matmul %get3A_16, %get3A_19, %dot_general3A {dimension_numbers = #tpu.dot_dimension_numbers<[1], [0], [0], [1], [0, 0, 1, 1], [], []>, transpose_lhs_hint = false} : vector<512x128xf32>, vector<128x128xf32>, vector<512x128xf32> -> vector<512x128xf32>
    %mul3A_21 = vector.broadcast %select_n3A : vector<512x1xf32> to vector<512x128xf32>
    %mul3A_22 = arith.mulf %dot_general3A_20, %mul3A_21 : vector<512x128xf32>
    %swap3A = arith.constant 0 : index
    %swap3A_23 = arith.constant 0 : index
    %swap3A_24 = vector.load %arg5[%swap3A, %swap3A_23] : memref<512x128xf32, #tpu.memory_space<vmem>>, vector<512x128xf32>
    tpu.vector_store %arg5[%swap3A, %swap3A_23], %mul3A_22 {strides = array<i32>} : memref<512x128xf32, #tpu.memory_space<vmem>>, vector<512x128xf32>,
    return
  }
  func.func @transform_0(%arg0: i32) -> (i32, i32) {
    %c0_i32 = arith.constant 0 : i32
    %c0_i32_0 = arith.constant 0 : i32
    return %arg0, %c0_i32 : i32, i32
  }
  func.func @transform_1(%arg0: i32) -> (i32, i32) {
    %c0_i32 = arith.constant 0 : i32
    %c0_i32_0 = arith.constant 0 : i32
    %c0_i32_1 = arith.constant 0 : i32
    return %c0_i32, %c0_i32_0 : i32, i32
  }
  func.func @transform_2(%arg0: i32) -> (i32, i32) {
    %c0_i32 = arith.constant 0 : i32
    %c0_i32_0 = arith.constant 0 : i32
    return %arg0, %c0_i32 : i32, i32
  }
  func.func @transform_3(%arg0: i32) -> (i32, i32) {
    %c0_i32 = arith.constant 0 : i32
    %c0_i32_0 = arith.constant 0 : i32
    return %arg0, %c0_i32 : i32, i32
  }
  func.func @transform_4(%arg0: i32) -> (i32, i32) {
    %c0_i32 = arith.constant 0 : i32
    %c0_i32_0 = arith.constant 0 : i32
    return %arg0, %c0_i32 : i32, i32
  }
}

module attributes {stable_mosaic.version = 14 : i64} {
  func.func @_layer_body(%arg0: i32, %arg1: memref<512x128xf32, #tpu.memory_space<vmem>>, %arg2: memref<512x128xf32, #tpu.memory_space<vmem>>, %arg3: memref<512x128xf32, #tpu.memory_space<vmem>>, %arg4: memref<512x16xf32, #tpu.memory_space<vmem>>, %arg5: memref<512x16xf32, #tpu.memory_space<vmem>>, %arg6: memref<1x128xf32, #tpu.memory_space<vmem>>, %arg7: memref<128x128xf32, #tpu.memory_space<vmem>>, %arg8: memref<512x128xf32, #tpu.memory_space<vmem>>) attributes {dimension_semantics = [#tpu.dimension_semantics<arbitrary>], iteration_bounds = array<i64: 20>, scalar_prefetch = 0 : i64, scratch_operands = 0 : i64, tpu.core_type = #tpu.core_type<tc>, window_params = [{transform_indices = @transform_0, window_bounds = array<i64: 512, 128>}, {transform_indices = @transform_1, window_bounds = array<i64: 512, 128>}, {transform_indices = @transform_2, window_bounds = array<i64: 512, 128>}, {transform_indices = @transform_3, window_bounds = array<i64: 512, 16>}, {transform_indices = @transform_4, window_bounds = array<i64: 512, 16>}, {pipeline_mode = #tpu.pipeline_mode<synchronous>, transform_indices = @transform_5, window_bounds = array<i64: 1, 128>}, {pipeline_mode = #tpu.pipeline_mode<synchronous>, transform_indices = @transform_6, window_bounds = array<i64: 128, 128>}, {transform_indices = @transform_7, window_bounds = array<i64: 512, 128>}]} {
    %get3A = arith.constant 0 : index
    %get3A_0 = arith.constant 0 : index
    %get3A_1 = vector.load %arg4[%get3A, %get3A_0] : memref<512x16xf32, #tpu.memory_space<vmem>>, vector<512x16xf32>
    %get3A_2 = arith.constant 0 : index
    %get3A_3 = arith.constant 0 : index
    %get3A_4 = vector.load %arg5[%get3A_2, %get3A_3] : memref<512x16xf32, #tpu.memory_space<vmem>>, vector<512x16xf32>
    %mul3A = arith.constant 512 : i32
    %mul3A_5 = arith.muli %arg0, %mul3A : i32
    %slice3A = vector.extract_strided_slice %get3A_1 {offsets = [0, 0], sizes = [512, 1], strides = [1, 1]} : vector<512x16xf32> to vector<512x1xf32>
    %slice3A_6 = vector.extract_strided_slice %get3A_4 {offsets = [0, 0], sizes = [512, 1], strides = [1, 1]} : vector<512x16xf32> to vector<512x1xf32>
    %add3A = arith.addf %slice3A, %slice3A_6 : vector<512x1xf32>
    %add3A_7 = arith.constant 1.000000e+00 : f32
    %add3A_8 = vector.broadcast %add3A_7 : f32 to vector<512x1xf32>
    %add3A_9 = arith.addf %add3A, %add3A_8 : vector<512x1xf32>
    %iota3A = tpu.iota {dimensions = array<i32: 0>} : vector<512x1xi32>
    %add3A_10 = vector.broadcast %mul3A_5 : i32 to vector<512x1xi32>
    %add3A_11 = arith.addi %add3A_10, %iota3A : vector<512x1xi32>
    %lt3A = arith.constant 10000 : i32
    %lt3A_12 = vector.broadcast %lt3A : i32 to vector<512x1xi32>
    %lt3A_13 = arith.cmpi slt, %add3A_11, %lt3A_12 : vector<512x1xi32>
    %rsqrt3A = math.rsqrt %add3A_9 : vector<512x1xf32>
    %jit3A = arith.constant 0.000000e+00 : f32
    %broadcast_in_dim3A = vector.broadcast %jit3A : f32 to vector<512x1xf32>
    %select_n3A = arith.select %lt3A_13, %rsqrt3A, %broadcast_in_dim3A : vector<512x1xi1>, vector<512x1xf32>
    %get3A_14 = arith.constant 0 : index
    %get3A_15 = arith.constant 0 : index
    %get3A_16 = vector.load %arg1[%get3A_14, %get3A_15] : memref<512x128xf32, #tpu.memory_space<vmem>>, vector<512x128xf32>
    %get3A_17 = arith.constant 0 : index
    %get3A_18 = arith.constant 0 : index
    %get3A_19 = vector.load %arg2[%get3A_17, %get3A_18] : memref<512x128xf32, #tpu.memory_space<vmem>>, vector<512x128xf32>
    %add3A_20 = arith.addf %get3A_16, %get3A_19 : vector<512x128xf32>
    %get3A_21 = arith.constant 0 : index
    %get3A_22 = arith.constant 0 : index
    %get3A_23 = vector.load %arg3[%get3A_21, %get3A_22] : memref<512x128xf32, #tpu.memory_space<vmem>>, vector<512x128xf32>
    %add3A_24 = arith.addf %add3A_20, %get3A_23 : vector<512x128xf32>
    %mul3A_25 = vector.broadcast %select_n3A : vector<512x1xf32> to vector<512x128xf32>
    %mul3A_26 = arith.mulf %mul3A_25, %add3A_24 : vector<512x128xf32>
    %get3A_27 = arith.constant 0 : index
    %get3A_28 = arith.constant 0 : index
    %get3A_29 = vector.load %arg6[%get3A_27, %get3A_28] : memref<1x128xf32, #tpu.memory_space<vmem>>, vector<1x128xf32>
    %add3A_30 = vector.broadcast %get3A_29 : vector<1x128xf32> to vector<512x128xf32>
    %add3A_31 = arith.addf %mul3A_26, %add3A_30 : vector<512x128xf32>
    %max3A = arith.constant 0.000000e+00 : f32
    %max3A_32 = vector.broadcast %max3A : f32 to vector<512x128xf32>
    %max3A_33 = arith.maximumf %add3A_31, %max3A_32 : vector<512x128xf32>
    %get3A_34 = arith.constant 0 : index
    %get3A_35 = arith.constant 0 : index
    %get3A_36 = vector.load %arg7[%get3A_34, %get3A_35] : memref<128x128xf32, #tpu.memory_space<vmem>>, vector<128x128xf32>
    %dot_general3A = arith.constant dense<0.000000e+00> : vector<512x128xf32>
    %dot_general3A_37 = tpu.matmul %max3A_33, %get3A_36, %dot_general3A {dimension_numbers = #tpu.dot_dimension_numbers<[1], [0], [0], [1], [0, 0, 1, 1], [], []>, transpose_lhs_hint = false} : vector<512x128xf32>, vector<128x128xf32>, vector<512x128xf32> -> vector<512x128xf32>
    %mul3A_38 = vector.broadcast %select_n3A : vector<512x1xf32> to vector<512x128xf32>
    %mul3A_39 = arith.mulf %dot_general3A_37, %mul3A_38 : vector<512x128xf32>
    %swap3A = arith.constant 0 : index
    %swap3A_40 = arith.constant 0 : index
    %swap3A_41 = vector.load %arg8[%swap3A, %swap3A_40] : memref<512x128xf32, #tpu.memory_space<vmem>>, vector<512x128xf32>
    tpu.vector_store %arg8[%swap3A, %swap3A_40], %mul3A_39 {strides = array<i32>} : memref<512x128xf32, #tpu.memory_space<vmem>>, vector<512x128xf32>,
    return
  }
  func.func @transform_0(%arg0: i32) -> (i32, i32) {
    %c0_i32 = arith.constant 0 : i32
    %c0_i32_0 = arith.constant 0 : i32
    return %arg0, %c0_i32 : i32, i32
  }
  func.func @transform_1(%arg0: i32) -> (i32, i32) {
    %c0_i32 = arith.constant 0 : i32
    %c0_i32_0 = arith.constant 0 : i32
    return %arg0, %c0_i32 : i32, i32
  }
  func.func @transform_2(%arg0: i32) -> (i32, i32) {
    %c0_i32 = arith.constant 0 : i32
    %c0_i32_0 = arith.constant 0 : i32
    return %arg0, %c0_i32 : i32, i32
  }
  func.func @transform_3(%arg0: i32) -> (i32, i32) {
    %c0_i32 = arith.constant 0 : i32
    %c0_i32_0 = arith.constant 0 : i32
    return %arg0, %c0_i32 : i32, i32
  }
  func.func @transform_4(%arg0: i32) -> (i32, i32) {
    %c0_i32 = arith.constant 0 : i32
    %c0_i32_0 = arith.constant 0 : i32
    return %arg0, %c0_i32 : i32, i32
  }
  func.func @transform_5(%arg0: i32) -> (i32, i32) {
    %c0_i32 = arith.constant 0 : i32
    %c0_i32_0 = arith.constant 0 : i32
    %c0_i32_1 = arith.constant 0 : i32
    return %c0_i32, %c0_i32_0 : i32, i32
  }
  func.func @transform_6(%arg0: i32) -> (i32, i32) {
    %c0_i32 = arith.constant 0 : i32
    %c0_i32_0 = arith.constant 0 : i32
    %c0_i32_1 = arith.constant 0 : i32
    return %c0_i32, %c0_i32_0 : i32, i32
  }
  func.func @transform_7(%arg0: i32) -> (i32, i32) {
    %c0_i32 = arith.constant 0 : i32
    %c0_i32_0 = arith.constant 0 : i32
    return %arg0, %c0_i32 : i32, i32
  }
}

module attributes {stable_mosaic.version = 14 : i64} {
  func.func @_final_body(%arg0: i32, %arg1: memref<512x128xf32, #tpu.memory_space<vmem>>, %arg2: memref<512x128xf32, #tpu.memory_space<vmem>>, %arg3: memref<512x128xf32, #tpu.memory_space<vmem>>, %arg4: memref<512x16xf32, #tpu.memory_space<vmem>>, %arg5: memref<512x16xf32, #tpu.memory_space<vmem>>, %arg6: memref<1x128xf32, #tpu.memory_space<vmem>>, %arg7: memref<512x128xf32, #tpu.memory_space<vmem>>) attributes {dimension_semantics = [#tpu.dimension_semantics<arbitrary>], iteration_bounds = array<i64: 20>, scalar_prefetch = 0 : i64, scratch_operands = 0 : i64, tpu.core_type = #tpu.core_type<tc>, window_params = [{transform_indices = @transform_0, window_bounds = array<i64: 512, 128>}, {transform_indices = @transform_1, window_bounds = array<i64: 512, 128>}, {transform_indices = @transform_2, window_bounds = array<i64: 512, 128>}, {transform_indices = @transform_3, window_bounds = array<i64: 512, 16>}, {transform_indices = @transform_4, window_bounds = array<i64: 512, 16>}, {pipeline_mode = #tpu.pipeline_mode<synchronous>, transform_indices = @transform_5, window_bounds = array<i64: 1, 128>}, {transform_indices = @transform_6, window_bounds = array<i64: 512, 128>}]} {
    %get3A = arith.constant 0 : index
    %get3A_0 = arith.constant 0 : index
    %get3A_1 = vector.load %arg4[%get3A, %get3A_0] : memref<512x16xf32, #tpu.memory_space<vmem>>, vector<512x16xf32>
    %get3A_2 = arith.constant 0 : index
    %get3A_3 = arith.constant 0 : index
    %get3A_4 = vector.load %arg5[%get3A_2, %get3A_3] : memref<512x16xf32, #tpu.memory_space<vmem>>, vector<512x16xf32>
    %mul3A = arith.constant 512 : i32
    %mul3A_5 = arith.muli %arg0, %mul3A : i32
    %slice3A = vector.extract_strided_slice %get3A_1 {offsets = [0, 0], sizes = [512, 1], strides = [1, 1]} : vector<512x16xf32> to vector<512x1xf32>
    %slice3A_6 = vector.extract_strided_slice %get3A_4 {offsets = [0, 0], sizes = [512, 1], strides = [1, 1]} : vector<512x16xf32> to vector<512x1xf32>
    %add3A = arith.addf %slice3A, %slice3A_6 : vector<512x1xf32>
    %add3A_7 = arith.constant 1.000000e+00 : f32
    %add3A_8 = vector.broadcast %add3A_7 : f32 to vector<512x1xf32>
    %add3A_9 = arith.addf %add3A, %add3A_8 : vector<512x1xf32>
    %iota3A = tpu.iota {dimensions = array<i32: 0>} : vector<512x1xi32>
    %add3A_10 = vector.broadcast %mul3A_5 : i32 to vector<512x1xi32>
    %add3A_11 = arith.addi %add3A_10, %iota3A : vector<512x1xi32>
    %lt3A = arith.constant 10000 : i32
    %lt3A_12 = vector.broadcast %lt3A : i32 to vector<512x1xi32>
    %lt3A_13 = arith.cmpi slt, %add3A_11, %lt3A_12 : vector<512x1xi32>
    %rsqrt3A = math.rsqrt %add3A_9 : vector<512x1xf32>
    %jit3A = arith.constant 0.000000e+00 : f32
    %broadcast_in_dim3A = vector.broadcast %jit3A : f32 to vector<512x1xf32>
    %select_n3A = arith.select %lt3A_13, %rsqrt3A, %broadcast_in_dim3A : vector<512x1xi1>, vector<512x1xf32>
    %get3A_14 = arith.constant 0 : index
    %get3A_15 = arith.constant 0 : index
    %get3A_16 = vector.load %arg1[%get3A_14, %get3A_15] : memref<512x128xf32, #tpu.memory_space<vmem>>, vector<512x128xf32>
    %get3A_17 = arith.constant 0 : index
    %get3A_18 = arith.constant 0 : index
    %get3A_19 = vector.load %arg2[%get3A_17, %get3A_18] : memref<512x128xf32, #tpu.memory_space<vmem>>, vector<512x128xf32>
    %add3A_20 = arith.addf %get3A_16, %get3A_19 : vector<512x128xf32>
    %get3A_21 = arith.constant 0 : index
    %get3A_22 = arith.constant 0 : index
    %get3A_23 = vector.load %arg3[%get3A_21, %get3A_22] : memref<512x128xf32, #tpu.memory_space<vmem>>, vector<512x128xf32>
    %add3A_24 = arith.addf %add3A_20, %get3A_23 : vector<512x128xf32>
    %mul3A_25 = vector.broadcast %select_n3A : vector<512x1xf32> to vector<512x128xf32>
    %mul3A_26 = arith.mulf %mul3A_25, %add3A_24 : vector<512x128xf32>
    %get3A_27 = arith.constant 0 : index
    %get3A_28 = arith.constant 0 : index
    %get3A_29 = vector.load %arg6[%get3A_27, %get3A_28] : memref<1x128xf32, #tpu.memory_space<vmem>>, vector<1x128xf32>
    %add3A_30 = vector.broadcast %get3A_29 : vector<1x128xf32> to vector<512x128xf32>
    %add3A_31 = arith.addf %mul3A_26, %add3A_30 : vector<512x128xf32>
    %swap3A = arith.constant 0 : index
    %swap3A_32 = arith.constant 0 : index
    %swap3A_33 = vector.load %arg7[%swap3A, %swap3A_32] : memref<512x128xf32, #tpu.memory_space<vmem>>, vector<512x128xf32>
    tpu.vector_store %arg7[%swap3A, %swap3A_32], %add3A_31 {strides = array<i32>} : memref<512x128xf32, #tpu.memory_space<vmem>>, vector<512x128xf32>,
    return
  }
  func.func @transform_0(%arg0: i32) -> (i32, i32) {
    %c0_i32 = arith.constant 0 : i32
    %c0_i32_0 = arith.constant 0 : i32
    return %arg0, %c0_i32 : i32, i32
  }
  func.func @transform_1(%arg0: i32) -> (i32, i32) {
    %c0_i32 = arith.constant 0 : i32
    %c0_i32_0 = arith.constant 0 : i32
    return %arg0, %c0_i32 : i32, i32
  }
  func.func @transform_2(%arg0: i32) -> (i32, i32) {
    %c0_i32 = arith.constant 0 : i32
    %c0_i32_0 = arith.constant 0 : i32
    return %arg0, %c0_i32 : i32, i32
  }
  func.func @transform_3(%arg0: i32) -> (i32, i32) {
    %c0_i32 = arith.constant 0 : i32
    %c0_i32_0 = arith.constant 0 : i32
    return %arg0, %c0_i32 : i32, i32
  }
  func.func @transform_4(%arg0: i32) -> (i32, i32) {
    %c0_i32 = arith.constant 0 : i32
    %c0_i32_0 = arith.constant 0 : i32
    return %arg0, %c0_i32 : i32, i32
  }
  func.func @transform_5(%arg0: i32) -> (i32, i32) {
    %c0_i32 = arith.constant 0 : i32
    %c0_i32_0 = arith.constant 0 : i32
    %c0_i32_1 = arith.constant 0 : i32
    return %c0_i32, %c0_i32_0 : i32, i32
  }
  func.func @transform_6(%arg0: i32) -> (i32, i32) {
    %c0_i32 = arith.constant 0 : i32
    %c0_i32_0 = arith.constant 0 : i32
    return %arg0, %c0_i32 : i32, i32
  }
}

</mosaic_0001>

<sc_bundles>
// kernel: kernel.10.cloned.1.call-start
scs
__scs_entry_jumppad:
0x0: {  	(pc) =	sbr.rel $0x88, $3  }
0x1: {  	(tag) =	ssettag $0x0;
	lr =	simm.s32 $0x1  }
0x2: {  	[smem:$0x3F99] =	sst lr;
	_ =	strace $0xD0000000  }
0x3: {  	_ = 	snop  }
0x4: {  	_ = 	snop  }
0x5: {  	_ = 	snop  }
0x6: {  	_ = 	snop  }
0x7: {  	_ = 	snop  }
__scs_overlays_trampoline_lowered:
0x8: {  	[smem:$0x3FA8] =	sst s0  }
0x9: {  	[smem:$0x3FA9] =	sst s1  }
0xa: {  	[smem:$0x3FAA] =	sst s2  }
0xb: {  	[smem:$0x3FAB] =	sst s3  }
0xc: {  	[smem:$0x3FAC] =	sst s4  }
0xd: {  	[smem:$0x3FAD] =	sst s5  }
0xe: {  	[smem:$0x3FAE] =	sst s6  }
0xf: {  	[smem:$0x3FAF] =	sst s7  }
0x10: {  	[smem:$0x3FB0] =	sst s8  }
0x11: {  	[smem:$0x3FB1] =	sst s9;
	s0 =	simm.s32 @!p0 $0x0  }
0x12: {  	s1 =	sld [smem:$0x3F97];
	s0 =	simm.s32 @p0 $0x1  }
0x13: {  	[smem:$0x3FB2] =	sst s0;
	s0 =	simm.s32 @!p1 $0x0  }
0x14: {  	s2 =	sld [smem:$0x3F96];
	s0 =	simm.s32 @p1 $0x1  }
0x15: {  	[smem:$0x3FB3] =	sst s0;
	s0 =	simm.s32 @!p2 $0x0  }
0x16: {  	s3 =	sld [smem:$0x3FDB];
	s0 =	simm.s32 @p2 $0x1  }
0x17: {  	s4 =	simm.s32 $0x1BF5;
	[smem:$0x3FB5] =	sst s0  }
0x18: {  	s0 =	sld [smem:$0x3F98];
	_ =	swait.ge [sflag:s4], $0x0  }
0x19: {  	s7 =	sld [smem:$0x3F99]  }
0x1a: {  	s8 =	sadd.s32 $0xFFFFE003, lr  }
0x1b: {  	s9 =	sadd.s32 $0xFFFFFEF7, lr;
	s5 =	simm.s32 $0xFFFFFFFF;
	p2 =	slt.u32 s8, $0xFFFFF086  }
0x1c: {  	p1 =	slt.u32 s9, $0xF7A;
	s5 =	simm.s32 @!p2 $0x0  }
0x1d: {  	s5 =	simm.s32 @p1 $0x1;
	p0 =	seq.s32 s7, s2  }
0x1e: {  	s7 =	smul.u32 @!p0 $0xF7A, s2;
	p2 =	seq.s32 @!p0 s5, $0x0  }
0x1f: {  	s9 =	smul.u32 $0xF7A, s1;
	s8 =	simm.s32 @!p0 $0x1BF5;
	p2 =	por !p2, p0  }
0x20: {  	[sflag:s8] =	ssyncset.s32 @!p0 $0xFFFFF086;
	s6 =	sadd.s32 @!p0 s3, s7;
	s7 =	simm.s32 @!p0 $0x108  }
0x21: {  	s3 =	sadd.s32 s3, s9;
	s6 =	sadd.s32 @!p0 $0x88, s6;
	s7 =	simm.s32 @p2 $0x1082  }
0x22: {  	[simem:s7], [sflag:s8] =	dma.local @!p0 [hbm:s6], $0xF7A  }
0x23: {  	s9 =	sor.u32 $0xD0000000, s2;
	s6 =	simm.s32 $0x108;
	_ =	swait.ge @!p0 [sflag:s8], $0x0  }
0x24: {  	s3 =	sadd.s32 $0x88, s3;
	s6 =	simm.s32 @!p1 $0x1082;
	[sflag:s4] =	ssyncset.s32 $0xFFFFF086  }
0x25: {  	[simem:s6], [sflag:s4] =	dma.local [hbm:s3], $0xF7A  }
0x26: {  	[smem:$0x3F99] =	sst s1;
	(tag) =	ssettag s2;
	_ =	strace s9  }
0x27: {  	s1 =	sld [smem:$0x3FA9]  }
0x28: {  	s2 =	sld [smem:$0x3FAA]  }
0x29: {  	s4 =	sld [smem:$0x3FAC]  }
0x2a: {  	p0 =	seq.s32 s5, $0x0;
	s5 =	sld [smem:$0x3FAD]  }
0x2b: {  	s6 =	sld [smem:$0x3FAE]  }
0x2c: {  	s7 =	sld [smem:$0x3FAF]  }
0x2d: {  	s3 =	simm.s32 $0x108;
	s8 =	sld [smem:$0x3FB0]  }
0x2e: {  	s3 =	simm.s32 @!p0 $0x1082;
	s9 =	sld [smem:$0x3FB1]  }
0x2f: {  	lr =	sadd.s32 s0, s3;
	s0 =	sld [smem:$0x3FA8]  }
0x30: {  	s3 =	sld [smem:$0x3FAB]  }
0x31: {  	[smem:$0x3FB4] =	sst s10  }
0x32: {  	s10 =	sld [smem:$0x3FB2];
	_ =	sdelay $0x3  }
0x33: {  	p0 =	seq.s32 s10, $0x1;
	s10 =	sld [smem:$0x3FB4];
	_ =	sdelay $0x3  }
0x34: {  	[smem:$0x3FB4] =	sst s10  }
0x35: {  	s10 =	sld [smem:$0x3FB3];
	_ =	sdelay $0x3  }
0x36: {  	p1 =	seq.s32 s10, $0x1;
	s10 =	sld [smem:$0x3FB4];
	_ =	sdelay $0x3  }
0x37: {  	[smem:$0x3FB4] =	sst s10  }
0x38: {  	s10 =	sld [smem:$0x3FB5]  }
0x39: {  	_ = 	snop;
	(pc) =	sbr.ind lr, $3  }
0x3a: {  	_ = 	snop  }
0x3b: {  	_ = 	snop  }
0x3c: {  	p2 =	seq.s32 s10, $0x1;
	s10 =	sld [smem:$0x3FB4]  }
0x3d: {  	_ =	shalt  }
0x3e: {  	_ =	shalt  }
0x3f: {  	_ =	shalt  }
0x40: {  	_ =	shalt  }
0x41: {  	_ =	shalt  }
0x42: {  	_ =	shalt  }
0x43: {  	_ =	shalt  }
0x44: {  	_ =	shalt  }
0x45: {  	_ =	shalt  }
0x46: {  	_ =	shalt  }
0x47: {  	_ =	shalt  }
0x48: {  	_ =	shalt  }
0x49: {  	_ =	shalt  }
0x4a: {  	_ =	shalt  }
0x4b: {  	_ =	shalt  }
0x4c: {  	_ =	shalt  }
0x4d: {  	_ =	shalt  }
0x4e: {  	_ =	shalt  }
0x4f: {  	_ =	shalt  }
0x50: {  	_ =	shalt  }
0x51: {  	_ =	shalt  }
0x52: {  	_ =	shalt  }
0x53: {  	_ =	shalt  }
0x54: {  	_ =	shalt  }
0x55: {  	_ =	shalt  }
0x56: {  	_ =	shalt  }
0x57: {  	_ =	shalt  }
0x58: {  	_ =	shalt  }
0x59: {  	_ =	shalt  }
0x5a: {  	_ =	shalt  }
0x5b: {  	_ =	shalt  }
0x5c: {  	_ =	shalt  }
0x5d: {  	_ =	shalt  }
0x5e: {  	_ =	shalt  }
0x5f: {  	_ =	shalt  }
0x60: {  	_ =	shalt  }
0x61: {  	_ =	shalt  }
0x62: {  	_ =	shalt  }
0x63: {  	_ =	shalt  }
0x64: {  	_ =	shalt  }
0x65: {  	_ =	shalt  }
0x66: {  	_ =	shalt  }
0x67: {  	_ =	shalt  }
0x68: {  	_ =	shalt  }
0x69: {  	_ =	shalt  }
0x6a: {  	_ =	shalt  }
0x6b: {  	_ =	shalt  }
0x6c: {  	_ =	shalt  }
0x6d: {  	_ =	shalt  }
0x6e: {  	_ =	shalt  }
0x6f: {  	_ =	shalt  }
0x70: {  	_ =	shalt  }
0x71: {  	_ =	shalt  }
0x72: {  	_ =	shalt  }
0x73: {  	_ =	shalt  }
0x74: {  	_ =	shalt  }
0x75: {  	_ =	shalt  }
0x76: {  	_ =	shalt  }
0x77: {  	_ =	shalt  }
0x78: {  	_ =	shalt  }
0x79: {  	_ =	shalt  }
0x7a: {  	_ =	shalt  }
0x7b: {  	_ =	shalt  }
0x7c: {  	_ =	shalt  }
0x7d: {  	_ =	shalt  }
0x7e: {  	_ =	shalt  }
0x7f: {  	_ =	shalt  }
0x80: {  	_ =	shalt  }
0x81: {  	_ =	shalt  }
0x82: {  	_ =	shalt  }
0x83: {  	_ =	shalt  }
0x84: {  	_ =	shalt  }
0x85: {  	_ =	shalt  }
0x86: {  	_ =	shalt  }
0x87: {  	_ =	shalt  }
.Lfunc_end0:
.L_simem_size_0:
called_computation_lowered:
.L_overlay_start_0:
0x88: {  	s2 =	sld [smem:$0x3FD9]  }
0x89: {  	s3 =	sld [smem:$0x3FFE];
	_ =	sdelay $0x1  }
0x8a: {  	s1 =	srdreg.scid  }
0x8b: {  	s0 =	sand.u32 $0x1, s1  }
0x8c: {  	s17 =	sshll.u32 s0, $0xA;
	s2 =	sadd.s32 s3, s2  }
0x8d: {  	s2 =	sadd.s32 s2, s17  }
0x8e: {  	[smem:$0x3FC0] =	sst s2  }
0x8f: {  	_ = 	snop  }
0x90: {  	s2 =	sld [smem:$0x3FD0];
	(tm) =	ssettm $0x1  }
0x91: {  	s18 =	sld [smem:$0x3FFB];
	_ =	sdelay $0x3  }
0x92: {  	_ =	strace s18  }
0x93: {  	s3 =	sld [smem:$0x3FFC];
	_ =	sdelay $0x3  }
0x94: {  	_ =	strace s3  }
0x95: {  	s3 =	sld [smem:$0x3FFD];
	_ =	sdelay $0x3  }
0x96: {  	_ =	strace s3  }
0x97: {  	_ =	strace $0x8FFFFFFF  }
0x98: {  	s19 =	sld [smem:$0x3FDB];
	_ =	sdelay $0x1  }
0x99: {  	s4 =	simm.s32 $_scs_section_size  }
0x9a: {  	s5 =	simm.s32 $_size__tile_overlayer_lowered;
	s6 =	simm.s32 $_tile_overlayer_lowered  }
0x9b: {  	s22 =	simm.s32 $0x1BFF;
	s21 =	sshll.u32 s6, $0x1;
	s3 =	sadd.s32 s4, s19  }
0x9c: {  	s7 =	simm.s32 $0x0;
	s20 =	sshll.u32 s5, $0x1;
	s5 =	sadd.s32 s21, s3  }
0x9d: {  	[timem:s7], [sflag:s22] =	dma.local [hbm:s5], s20  }
0x9e: {  	_ =	swait.ge [sflag:s22], s20  }
0x9f: {  	s4 =	ssub.s32 $0x0, s20;
	[sflag:s22] =	ssyncset.done $0x0  }
0xa0: {  	[sflag:s22] =	ssyncadd.s32 s4;
	_ =	sdelay $0x1  }
0xa1: {  	s23 =	simm.s32 $0x1B8B  }
0xa2: {  	_ =	swait.ge [sflag:s23], $0x1  }
0xa3: {  	[sflag:s23] =	ssyncset.done $0x0  }
0xa4: {  	s25 =	simm.s32 $0x1B8E;
	s24 =	sld [smem:$0x3FFE];
	[sflag:s23] =	ssyncadd.s32 $0xFFFFFFFF  }
0xa5: {  	s26 =	simm.s32 $execute0_lowered;
	[smem:$0x3FD2] =	sst s25  }
0xa6: {  	s5 =	sshll.u32 s26, $0x1;
	_ =	strace $0x80000046;
	[dreg:$0x1] =	wrdreg $0xFFFFFFFF  }
0xa7: {  	s28 =	simm.s32 $_size_execute0_lowered;
	s3 =	sadd.s32 s3, s5;
	[dreg:$0x0] =	wrdreg $0x0  }
0xa8: {  	s5 =	sshll.u32 s28, $0x1;
	[dreg:$0x2] =	wrdreg s3  }
0xa9: {  	[dreg:$0x3] =	wrdreg s5  }
0xaa: {  	[dreg:$0x4] =	wrdreg $0xC0  }
0xab: {  	_ =	task [dreg:s7], $0x5FFFF  }
0xac: {  	[dreg:$0x1] =	wrdreg $0xFFFFFFFF  }
0xad: {  	[dreg:$0x0] =	wrdreg $0x60  }
0xae: {  	[dreg:$0x2] =	wrdreg s24  }
0xaf: {  	[dreg:$0x3] =	wrdreg s2  }
0xb0: {  	[dreg:$0x4] =	wrdreg $0x90000  }
0xb1: {  	[dreg:$0x5] =	wrdreg $0x9  }
0xb2: {  	_ =	task.clear_ibuf [dreg:s7], $0x6FFFF;
	_ =	strace $0x90000046  }
0xb3: {  	s29 =	simm.s32 $0x9;
	_ =	strace $0x80000048  }
0xb4: {  	_ =	swait.ge [sflag:s29], $0x1  }
0xb5: {  	[sflag:s29] =	ssyncadd.s32 $0xFFFFFFFF  }
0xb6: {  	_ =	strace $0x90000048  }
0xb7: {  	_ =	sfence  }
0xb8: {  	s30 =	sld [smem:$0x0];
	_ =	sdelay $0x2  }
0xb9: {  	s31 =	sshll.u32 s1, $0xD;
	s1 =	sshrl.u32 s1, $0x2  }
0xba: {  	s3 =	sand.u32 $0x4000, s31;
	s1 =	sadd.s32 s1, s30  }
0xbb: {  	s0 =	sor.u32 s3, s0;
	s1 =	sshll.u32 s1, $0x11  }
0xbc: {  	s0 =	sor.u32 s1, s0  }
0xbd: {  	s0 =	sadd.s32 $0x8F2B, s0  }
0xbe: {  	[sflag:s0] =	ssyncadd.remote.s32 $0x1  }
0xbf: {  	_ =	sfence.sel $0xFFFF  }
0xc0: {  	[dreg:$0x0] =	wrdreg $0xFFFFFFFF;
	(pc) =	sbr.abs _section_cstart, $3  }
0xc1: {  	[dreg:$0x1] =	wrdreg $0xFFFFFFFF  }
0xc2: {  	_ =	task.clear_ibuf [dreg:s7], $0x2FFFF;
	_ =	strace $0x9FFFFFFF  }
0xc3: {  	(tm) =	ssettm $0x7FFFFFFF  }
tec
execute0_lowered:
.L_overlay_start_1:
0x0: {  	(tag) =	ssettag $0x1  }
0x1: {  	s6 =	rddreg [dreg:$0x0]  }
0x2: {  	s7 =	rddreg [dreg:$0x1]  }
0x3: {  	s0 =	srdreg.scid;
	s2 =	rddreg [dreg:$0x2];
	s3 =	simm.s32 $0x0  }
0x4: {  	s14 =	simm.s32 $0x80;
	s5 =	sand.u32 $0x1, s0;
	s0 =	stileid.u32  }
0x5: {  	s15 =	simm.s32 $0x5000;
	s16 =	simm.s32 $0x0;
	s9 =	smul.u32 $0x14000, s0  }
0x6: {  	[smem:$0x7FF] =	sst s3;
	s4 =	sadd.s32 $0xE200, s6;
	s10 =	smul.u32 $0x140000, s5  }
0x7: {  	s1 =	sshll.u32 s5, $0x4;
	s5 =	ssub.s32 $0x2, s5;
	s13 =	smul.u32 $0x50000, s0  }
0x8: {  	s31 =	sshll.u32 s0, $0x6;
	s1 =	sor.u32 s0, s1;
	s29 =	sshrl.u32 s5, $0x1  }
0x9: {  	s8 =	smul.u32 $0x500, s1;
	s1 =	rddreg [dreg:$0x3];
	_ =	strace $0x80000047  }
0xa: {  	s12 =	sshrl.u32 s9, $0x3;
	s9 =	sadd.s32 s9, s10;
	s10 =	ssub.s32 s5, s29  }
0xb: {  	s30 =	sshrl.u32 s13, $0x2;
	s9 =	sshrl.u32 s9, $0x3;
	s12 =	sadd.s32 s12, s6  }
0xc: {  	s13 =	sadd.s32 s30, s2;
	s11 =	sadd.s32 s8, s6;
	s9 =	sadd.s32 s9, s6  }
0xd: {  	s5 =	sadd.s32 s7, s8;
	s7 =	sadd.s32 $0x36200, s12;
	s12 =	sor.u32 $0x1C01, s31  }
0xe: {  	s13 =	sshrl.u32 s13, $0x3;
	s6 =	sadd.s32 $0x4200, s11;
	s8 =	sadd.s32 $0x5E200, s9  }
0xf: {  	s9 =	smax.u32 s10, $0x1;
	s10 =	simm.s32 $0x1;
	s11 =	simm.s32 $0x2800  }
.LBB2_1:
0x10: {  	[tilespmem:s3], [sflag:$0x1] =	stream.linear.gather [hbm4b:s5+s3], $0x2800, $0x38;
	[tilespmem:$0x1D000] =	vst v63  }
0x11: {  	_ =	swait.ge [sflag:s10], $0x2800  }
0x12: {  	[sflag:s10] =	ssyncset.done $0x0  }
0x13: {  	[sflag:s10] =	ssyncadd.s32 $0xFFFFD800  }
0x14: {  	[tilespmem:s11], [sflag:$0x1] =	stream.linear.gather [hbm4b:s6+s3], $0x2800, $0x38;
	[tilespmem:$0x1D000] =	vst v63  }
0x15: {  	_ =	swait.ge [sflag:s10], $0x2800  }
0x16: {  	[sflag:s10] =	ssyncset.done $0x0  }
0x17: {  	[sflag:s10] =	ssyncadd.s32 $0xFFFFD800  }
0x18: {  	[spmem:s13], [sflag:s12] =	dma.local [hbm:s7], $0x2800  }
0x19: {  	_ =	swait.ge [sflag:s10], $0x2800  }
0x1a: {  	[sflag:s10] =	ssyncset.done $0x0  }
0x1b: {  	[sflag:s10] =	ssyncadd.s32 $0xFFFFD800  }
0x1c: {  	s17 =	simm.s32 $0x0;
	[bflag:$0x0] =	sbarrier.arrive $0xFFFF  }
0x1d: {  	[tilespmem:s15], [sflag:$0x1] =	stream.indirect.gather [hbm4b:s4+s14], $0x80, s17, s14, $0xb8;
	[tilespmem:$0x1D000] =	vst v63  }
0x1e: {  	_ =	swait.ge [sflag:s10], $0x4000  }
0x1f: {  	[sflag:s10] =	ssyncset.done $0x0  }
0x20: {  	s31 =	simm.s32 $0x2800;
	[sflag:s10] =	ssyncadd.s32 $0xFFFFC000  }
0x21: {  	[spmem:s2] =	stream.indirect.scatter.add.f32 [tilespmem:s15], [sflag:$0x1], $0x80, s31, s14, $0xb8;
	[tilespmem:$0x1D000] =	vst v63  }
0x22: {  	_ =	swait.ge [sflag:s10], $0x4000  }
0x23: {  	s18 =	simm.s32 $0x400;
	s17 =	simm.s32 $0x200;
	[sflag:s10] =	ssyncset.done $0x0  }
.LBB2_2:
0x24: {  	s19 =	sshra.s32 s17, $0x2  }
0x25: {  	[sflag:s10] =	ssyncadd.s32 $0xFFFFC000;
	s17 =	smov.u32 s18;
	s20 =	sadd.s32 $0x200, s18  }
0x26: {  	[tilespmem:s15], [sflag:$0x1] =	stream.indirect.gather [hbm4b:s4+s14], $0x80, s19, s14, $0xb8;
	[tilespmem:$0x1D000] =	vst v63  }
0x27: {  	p0 =	sne.s32 s18, $0x9E00;
	_ =	swait.ge [sflag:s10], $0x4000  }
.Ltmp0:
0x28: {  	[sflag:s10] =	ssyncset.done $0x0;
	(pc) =	sbr.rel @p0 .LBB2_2-.Ltmp0, $4  }
0x29: {  	s18 =	sadd.s32 $0x2800, s19;
	[sflag:s10] =	ssyncadd.s32 $0xFFFFC000  }
0x2a: {  	[spmem:s2] =	stream.indirect.scatter.add.f32 [tilespmem:s15], [sflag:$0x1], $0x80, s18, s14, $0xb8;
	[tilespmem:$0x1D000] =	vst v63  }
0x2b: {  	_ =	swait.ge [sflag:s10], $0x4000  }
0x2c: {  	s18 =	smov.u32 s20;
	[sflag:s10] =	ssyncset.done $0x0  }
0x2d: {  	s17 =	sshra.s32 s17, $0x2;
	[sflag:s10] =	ssyncadd.s32 $0xFFFFC000  }
0x2e: {  	[tilespmem:s15], [sflag:$0x1] =	stream.indirect.gather [hbm4b:s4+s14], $0x80, s17, s14, $0xb8;
	[tilespmem:$0x1D000] =	vst v63  }
0x2f: {  	_ =	swait.ge [sflag:s10], $0x4000  }
0x30: {  	[sflag:s10] =	ssyncset.done $0x0  }
0x31: {  	s17 =	sadd.s32 $0x2800, s17;
	[sflag:s10] =	ssyncadd.s32 $0xFFFFC000  }
0x32: {  	[spmem:s2] =	stream.indirect.scatter.add.f32 [tilespmem:s15], [sflag:$0x1], $0x80, s17, s14, $0xb8;
	[tilespmem:$0x1D000] =	vst v63  }
0x33: {  	_ =	swait.ge [sflag:s10], $0x4000  }
0x34: {  	s16 =	sadd.s32 $0x1, s16;
	[sflag:s10] =	ssyncset.done $0x0  }
0x35: {  	p0 =	sne.s32 s16, s9;
	[sflag:s10] =	ssyncadd.s32 $0xFFFFC000  }
.Ltmp1:
0x36: {  	[bflag:$0x0] =	sbarrier.arrive $0xFFFF;
	(pc) =	sbr.rel @p0 .LBB2_1-.Ltmp1, $4  }
0x37: {  	[hbm:s8], [sflag:s12] =	dma.local [spmem:s13], $0x2800  }
0x38: {  	_ =	swait.ge [sflag:s10], $0x2800  }
0x39: {  	[sflag:s10] =	ssyncset.done $0x0  }
0x3a: {  	[sflag:s10] =	ssyncadd.s32 $0xFFFFD800  }
0x3b: {  	_ =	sfence.sel $0x180000  }
0x3c: {  	[bflag:$0x0] =	sbarrier.arrive $0xFFFF  }
0x3d: {  	p0 =	sne.s32 s0, $0x0;
	_ =	strace $0x90000047  }
0x3e: {  	s0 =	sadd.s32 @!p0 $0x100000, s1;
	[bflag:$0x2] =	sbarrier.arrive $0xFFFF  }
0x3f: {  	[sflag:s0] =	ssyncadd.tile.s32 @!p0 $0x1;
	_ =	shalt  }
.Lfunc_end2:
_tile_overlayer_lowered:
.L_overlay_start_2:
0x40: {  	(tag) =	ssettag $0x2  }
0x41: {  	s0 =	rddreg [dreg:$0x0];
	s2 =	stileid.u32  }
0x42: {  	s1 =	rddreg [dreg:$0x1];
	p0 =	sne.s32 s2, $0x0  }
0x43: {  	s3 =	rddreg [dreg:$0x2];
	[bflag:$0x3] =	sbarrier.arrive $0xFFFF;
	s2 =	simm.s32 @!p0 $0x1C01  }
0x44: {  	[timem:s3], [sflag:s2] =	dma.local @!p0 [hbm:s0], s1  }
0x45: {  	s0 =	simm.s32 @!p0 $0x1  }
0x46: {  	_ =	swait.ge @!p0 [sflag:s0], s1  }
0x47: {  	s1 =	ssub.s32 @!p0 $0x0, s1;
	[sflag:s0] =	ssyncset.done @!p0 $0x0  }
0x48: {  	[sflag:s0] =	ssyncadd.s32 @!p0 s1  }
0x49: {  	[bflag:$0x3] =	sbarrier.arrive $0xFFFF  }
0x4a: {  	_ =	shalt  }

// kernel: kernel.13.cloned.1.call-start
scs
__scs_entry_jumppad:
0x0: {  	(pc) =	sbr.rel $0x88, $3  }
0x1: {  	(tag) =	ssettag $0x0;
	lr =	simm.s32 $0x1  }
0x2: {  	[smem:$0x3F99] =	sst lr;
	_ =	strace $0xD0000000  }
0x3: {  	_ = 	snop  }
0x4: {  	_ = 	snop  }
0x5: {  	_ = 	snop  }
0x6: {  	_ = 	snop  }
0x7: {  	_ = 	snop  }
__scs_overlays_trampoline_lowered:
0x8: {  	[smem:$0x3FA8] =	sst s0  }
0x9: {  	[smem:$0x3FA9] =	sst s1  }
0xa: {  	[smem:$0x3FAA] =	sst s2  }
0xb: {  	[smem:$0x3FAB] =	sst s3  }
0xc: {  	[smem:$0x3FAC] =	sst s4  }
0xd: {  	[smem:$0x3FAD] =	sst s5  }
0xe: {  	[smem:$0x3FAE] =	sst s6  }
0xf: {  	[smem:$0x3FAF] =	sst s7  }
0x10: {  	[smem:$0x3FB0] =	sst s8  }
0x11: {  	[smem:$0x3FB1] =	sst s9;
	s0 =	simm.s32 @!p0 $0x0  }
0x12: {  	s1 =	sld [smem:$0x3F97];
	s0 =	simm.s32 @p0 $0x1  }
0x13: {  	[smem:$0x3FB2] =	sst s0;
	s0 =	simm.s32 @!p1 $0x0  }
0x14: {  	s2 =	sld [smem:$0x3F96];
	s0 =	simm.s32 @p1 $0x1  }
0x15: {  	[smem:$0x3FB3] =	sst s0;
	s0 =	simm.s32 @!p2 $0x0  }
0x16: {  	s3 =	sld [smem:$0x3FDB];
	s0 =	simm.s32 @p2 $0x1  }
0x17: {  	s4 =	simm.s32 $0x1BF5;
	[smem:$0x3FB5] =	sst s0  }
0x18: {  	s0 =	sld [smem:$0x3F98];
	_ =	swait.ge [sflag:s4], $0x0  }
0x19: {  	s7 =	sld [smem:$0x3F99]  }
0x1a: {  	s8 =	sadd.s32 $0xFFFFE003, lr  }
0x1b: {  	s9 =	sadd.s32 $0xFFFFFEF7, lr;
	s5 =	simm.s32 $0xFFFFFFFF;
	p2 =	slt.u32 s8, $0xFFFFF086  }
0x1c: {  	p1 =	slt.u32 s9, $0xF7A;
	s5 =	simm.s32 @!p2 $0x0  }
0x1d: {  	s5 =	simm.s32 @p1 $0x1;
	p0 =	seq.s32 s7, s2  }
0x1e: {  	s7 =	smul.u32 @!p0 $0xF7A, s2;
	p2 =	seq.s32 @!p0 s5, $0x0  }
0x1f: {  	s9 =	smul.u32 $0xF7A, s1;
	s8 =	simm.s32 @!p0 $0x1BF5;
	p2 =	por !p2, p0  }
0x20: {  	[sflag:s8] =	ssyncset.s32 @!p0 $0xFFFFF086;
	s6 =	sadd.s32 @!p0 s3, s7;
	s7 =	simm.s32 @!p0 $0x108  }
0x21: {  	s3 =	sadd.s32 s3, s9;
	s6 =	sadd.s32 @!p0 $0x88, s6;
	s7 =	simm.s32 @p2 $0x1082  }
0x22: {  	[simem:s7], [sflag:s8] =	dma.local @!p0 [hbm:s6], $0xF7A  }
0x23: {  	s9 =	sor.u32 $0xD0000000, s2;
	s6 =	simm.s32 $0x108;
	_ =	swait.ge @!p0 [sflag:s8], $0x0  }
0x24: {  	s3 =	sadd.s32 $0x88, s3;
	s6 =	simm.s32 @!p1 $0x1082;
	[sflag:s4] =	ssyncset.s32 $0xFFFFF086  }
0x25: {  	[simem:s6], [sflag:s4] =	dma.local [hbm:s3], $0xF7A  }
0x26: {  	[smem:$0x3F99] =	sst s1;
	(tag) =	ssettag s2;
	_ =	strace s9  }
0x27: {  	s1 =	sld [smem:$0x3FA9]  }
0x28: {  	s2 =	sld [smem:$0x3FAA]  }
0x29: {  	s4 =	sld [smem:$0x3FAC]  }
0x2a: {  	p0 =	seq.s32 s5, $0x0;
	s5 =	sld [smem:$0x3FAD]  }
0x2b: {  	s6 =	sld [smem:$0x3FAE]  }
0x2c: {  	s7 =	sld [smem:$0x3FAF]  }
0x2d: {  	s3 =	simm.s32 $0x108;
	s8 =	sld [smem:$0x3FB0]  }
0x2e: {  	s3 =	simm.s32 @!p0 $0x1082;
	s9 =	sld [smem:$0x3FB1]  }
0x2f: {  	lr =	sadd.s32 s0, s3;
	s0 =	sld [smem:$0x3FA8]  }
0x30: {  	s3 =	sld [smem:$0x3FAB]  }
0x31: {  	[smem:$0x3FB4] =	sst s10  }
0x32: {  	s10 =	sld [smem:$0x3FB2];
	_ =	sdelay $0x3  }
0x33: {  	p0 =	seq.s32 s10, $0x1;
	s10 =	sld [smem:$0x3FB4];
	_ =	sdelay $0x3  }
0x34: {  	[smem:$0x3FB4] =	sst s10  }
0x35: {  	s10 =	sld [smem:$0x3FB3];
	_ =	sdelay $0x3  }
0x36: {  	p1 =	seq.s32 s10, $0x1;
	s10 =	sld [smem:$0x3FB4];
	_ =	sdelay $0x3  }
0x37: {  	[smem:$0x3FB4] =	sst s10  }
0x38: {  	s10 =	sld [smem:$0x3FB5]  }
0x39: {  	_ = 	snop;
	(pc) =	sbr.ind lr, $3  }
0x3a: {  	_ = 	snop  }
0x3b: {  	_ = 	snop  }
0x3c: {  	p2 =	seq.s32 s10, $0x1;
	s10 =	sld [smem:$0x3FB4]  }
0x3d: {  	_ =	shalt  }
0x3e: {  	_ =	shalt  }
0x3f: {  	_ =	shalt  }
0x40: {  	_ =	shalt  }
0x41: {  	_ =	shalt  }
0x42: {  	_ =	shalt  }
0x43: {  	_ =	shalt  }
0x44: {  	_ =	shalt  }
0x45: {  	_ =	shalt  }
0x46: {  	_ =	shalt  }
0x47: {  	_ =	shalt  }
0x48: {  	_ =	shalt  }
0x49: {  	_ =	shalt  }
0x4a: {  	_ =	shalt  }
0x4b: {  	_ =	shalt  }
0x4c: {  	_ =	shalt  }
0x4d: {  	_ =	shalt  }
0x4e: {  	_ =	shalt  }
0x4f: {  	_ =	shalt  }
0x50: {  	_ =	shalt  }
0x51: {  	_ =	shalt  }
0x52: {  	_ =	shalt  }
0x53: {  	_ =	shalt  }
0x54: {  	_ =	shalt  }
0x55: {  	_ =	shalt  }
0x56: {  	_ =	shalt  }
0x57: {  	_ =	shalt  }
0x58: {  	_ =	shalt  }
0x59: {  	_ =	shalt  }
0x5a: {  	_ =	shalt  }
0x5b: {  	_ =	shalt  }
0x5c: {  	_ =	shalt  }
0x5d: {  	_ =	shalt  }
0x5e: {  	_ =	shalt  }
0x5f: {  	_ =	shalt  }
0x60: {  	_ =	shalt  }
0x61: {  	_ =	shalt  }
0x62: {  	_ =	shalt  }
0x63: {  	_ =	shalt  }
0x64: {  	_ =	shalt  }
0x65: {  	_ =	shalt  }
0x66: {  	_ =	shalt  }
0x67: {  	_ =	shalt  }
0x68: {  	_ =	shalt  }
0x69: {  	_ =	shalt  }
0x6a: {  	_ =	shalt  }
0x6b: {  	_ =	shalt  }
0x6c: {  	_ =	shalt  }
0x6d: {  	_ =	shalt  }
0x6e: {  	_ =	shalt  }
0x6f: {  	_ =	shalt  }
0x70: {  	_ =	shalt  }
0x71: {  	_ =	shalt  }
0x72: {  	_ =	shalt  }
0x73: {  	_ =	shalt  }
0x74: {  	_ =	shalt  }
0x75: {  	_ =	shalt  }
0x76: {  	_ =	shalt  }
0x77: {  	_ =	shalt  }
0x78: {  	_ =	shalt  }
0x79: {  	_ =	shalt  }
0x7a: {  	_ =	shalt  }
0x7b: {  	_ =	shalt  }
0x7c: {  	_ =	shalt  }
0x7d: {  	_ =	shalt  }
0x7e: {  	_ =	shalt  }
0x7f: {  	_ =	shalt  }
0x80: {  	_ =	shalt  }
0x81: {  	_ =	shalt  }
0x82: {  	_ =	shalt  }
0x83: {  	_ =	shalt  }
0x84: {  	_ =	shalt  }
0x85: {  	_ =	shalt  }
0x86: {  	_ =	shalt  }
0x87: {  	_ =	shalt  }
.Lfunc_end0:
.L_simem_size_0:
called_computation.1_lowered:
.L_overlay_start_0:
0x88: {  	s2 =	sld [smem:$0x3FD9]  }
0x89: {  	s3 =	sld [smem:$0x3FFE];
	_ =	sdelay $0x1  }
0x8a: {  	s1 =	srdreg.scid  }
0x8b: {  	s0 =	sand.u32 $0x1, s1  }
0x8c: {  	s17 =	sshll.u32 s0, $0xA;
	s2 =	sadd.s32 s3, s2  }
0x8d: {  	s2 =	sadd.s32 s2, s17  }
0x8e: {  	[smem:$0x3FC0] =	sst s2  }
0x8f: {  	_ = 	snop  }
0x90: {  	s2 =	sld [smem:$0x3FD0];
	(tm) =	ssettm $0x1  }
0x91: {  	s18 =	sld [smem:$0x3FFB];
	_ =	sdelay $0x3  }
0x92: {  	_ =	strace s18  }
0x93: {  	s3 =	sld [smem:$0x3FFC];
	_ =	sdelay $0x3  }
0x94: {  	_ =	strace s3  }
0x95: {  	s3 =	sld [smem:$0x3FFD];
	_ =	sdelay $0x3  }
0x96: {  	_ =	strace s3  }
0x97: {  	_ =	strace $0x8FFFFFFF  }
0x98: {  	s19 =	sld [smem:$0x3FDB];
	_ =	sdelay $0x1  }
0x99: {  	s4 =	simm.s32 $_scs_section_size  }
0x9a: {  	s5 =	simm.s32 $_size__tile_overlayer_lowered;
	s6 =	simm.s32 $_tile_overlayer_lowered  }
0x9b: {  	s22 =	simm.s32 $0x1BFF;
	s21 =	sshll.u32 s6, $0x1;
	s3 =	sadd.s32 s4, s19  }
0x9c: {  	s7 =	simm.s32 $0x0;
	s20 =	sshll.u32 s5, $0x1;
	s5 =	sadd.s32 s21, s3  }
0x9d: {  	[timem:s7], [sflag:s22] =	dma.local [hbm:s5], s20  }
0x9e: {  	_ =	swait.ge [sflag:s22], s20  }
0x9f: {  	s4 =	ssub.s32 $0x0, s20;
	[sflag:s22] =	ssyncset.done $0x0  }
0xa0: {  	[sflag:s22] =	ssyncadd.s32 s4;
	_ =	sdelay $0x1  }
0xa1: {  	s23 =	simm.s32 $0x1B8B  }
0xa2: {  	_ =	swait.ge [sflag:s23], $0x1  }
0xa3: {  	[sflag:s23] =	ssyncset.done $0x0  }
0xa4: {  	s25 =	simm.s32 $0x1B8E;
	s24 =	sld [smem:$0x3FFE];
	[sflag:s23] =	ssyncadd.s32 $0xFFFFFFFF  }
0xa5: {  	s26 =	simm.s32 $execute0_lowered;
	[smem:$0x3FD2] =	sst s25  }
0xa6: {  	s5 =	sshll.u32 s26, $0x1;
	_ =	strace $0x80000049;
	[dreg:$0x1] =	wrdreg $0xFFFFFFFF  }
0xa7: {  	s28 =	simm.s32 $_size_execute0_lowered;
	s3 =	sadd.s32 s3, s5;
	[dreg:$0x0] =	wrdreg $0x0  }
0xa8: {  	s5 =	sshll.u32 s28, $0x1;
	[dreg:$0x2] =	wrdreg s3  }
0xa9: {  	[dreg:$0x3] =	wrdreg s5  }
0xaa: {  	[dreg:$0x4] =	wrdreg $0xC0  }
0xab: {  	_ =	task [dreg:s7], $0x5FFFF  }
0xac: {  	[dreg:$0x1] =	wrdreg $0xFFFFFFFF  }
0xad: {  	[dreg:$0x0] =	wrdreg $0x60  }
0xae: {  	[dreg:$0x2] =	wrdreg s24  }
0xaf: {  	[dreg:$0x3] =	wrdreg s2  }
0xb0: {  	[dreg:$0x4] =	wrdreg $0x90000  }
0xb1: {  	[dreg:$0x5] =	wrdreg $0x9  }
0xb2: {  	_ =	task.clear_ibuf [dreg:s7], $0x6FFFF;
	_ =	strace $0x90000049  }
0xb3: {  	s29 =	simm.s32 $0x9;
	_ =	strace $0x8000004B  }
0xb4: {  	_ =	swait.ge [sflag:s29], $0x1  }
0xb5: {  	[sflag:s29] =	ssyncadd.s32 $0xFFFFFFFF  }
0xb6: {  	_ =	strace $0x9000004B  }
0xb7: {  	_ =	sfence  }
0xb8: {  	s30 =	sld [smem:$0x0];
	_ =	sdelay $0x2  }
0xb9: {  	s31 =	sshll.u32 s1, $0xD;
	s1 =	sshrl.u32 s1, $0x2  }
0xba: {  	s3 =	sand.u32 $0x4000, s31;
	s1 =	sadd.s32 s1, s30  }
0xbb: {  	s0 =	sor.u32 s3, s0;
	s1 =	sshll.u32 s1, $0x11  }
0xbc: {  	s0 =	sor.u32 s1, s0  }
0xbd: {  	s0 =	sadd.s32 $0x8F2B, s0  }
0xbe: {  	[sflag:s0] =	ssyncadd.remote.s32 $0x1  }
0xbf: {  	_ =	sfence.sel $0xFFFF  }
0xc0: {  	[dreg:$0x0] =	wrdreg $0xFFFFFFFF;
	(pc) =	sbr.abs _section_cstart, $3  }
0xc1: {  	[dreg:$0x1] =	wrdreg $0xFFFFFFFF  }
0xc2: {  	_ =	task.clear_ibuf [dreg:s7], $0x2FFFF;
	_ =	strace $0x9FFFFFFF  }
0xc3: {  	(tm) =	ssettm $0x7FFFFFFF  }
tec
execute0_lowered:
.L_overlay_start_1:
0x0: {  	(tag) =	ssettag $0x1  }
0x1: {  	s6 =	rddreg [dreg:$0x0]  }
0x2: {  	s7 =	rddreg [dreg:$0x1]  }
0x3: {  	s0 =	srdreg.scid;
	s2 =	rddreg [dreg:$0x2];
	s3 =	simm.s32 $0x0  }
0x4: {  	s14 =	simm.s32 $0x80;
	s5 =	sand.u32 $0x1, s0;
	s0 =	stileid.u32  }
0x5: {  	s15 =	simm.s32 $0x5000;
	s16 =	simm.s32 $0x0;
	s9 =	smul.u32 $0x14000, s0  }
0x6: {  	[smem:$0x7FF] =	sst s3;
	s4 =	sadd.s32 $0x86200, s6;
	s10 =	smul.u32 $0x140000, s5  }
0x7: {  	s1 =	sshll.u32 s5, $0x4;
	s5 =	ssub.s32 $0x2, s5;
	s13 =	smul.u32 $0x50000, s0  }
0x8: {  	s31 =	sshll.u32 s0, $0x6;
	s1 =	sor.u32 s0, s1;
	s29 =	sshrl.u32 s5, $0x1  }
0x9: {  	s8 =	smul.u32 $0x500, s1;
	s1 =	rddreg [dreg:$0x3];
	_ =	strace $0x8000004A  }
0xa: {  	s12 =	sshrl.u32 s9, $0x3;
	s9 =	sadd.s32 s9, s10;
	s10 =	ssub.s32 s5, s29  }
0xb: {  	s30 =	sshrl.u32 s13, $0x2;
	s9 =	sshrl.u32 s9, $0x3;
	s12 =	sadd.s32 s12, s6  }
0xc: {  	s13 =	sadd.s32 s30, s2;
	s11 =	sadd.s32 s8, s6;
	s9 =	sadd.s32 s9, s6  }
0xd: {  	s5 =	sadd.s32 s7, s8;
	s7 =	sadd.s32 $0x36200, s12;
	s12 =	sor.u32 $0x1C01, s31  }
0xe: {  	s13 =	sshrl.u32 s13, $0x3;
	s6 =	sadd.s32 $0x4200, s11;
	s8 =	sadd.s32 $0xAE200, s9  }
0xf: {  	s9 =	smax.u32 s10, $0x1;
	s10 =	simm.s32 $0x1;
	s11 =	simm.s32 $0x2800  }
.LBB2_1:
0x10: {  	[tilespmem:s3], [sflag:$0x1] =	stream.linear.gather [hbm4b:s5+s3], $0x2800, $0x38;
	[tilespmem:$0x1D000] =	vst v63  }
0x11: {  	_ =	swait.ge [sflag:s10], $0x2800  }
0x12: {  	[sflag:s10] =	ssyncset.done $0x0  }
0x13: {  	[sflag:s10] =	ssyncadd.s32 $0xFFFFD800  }
0x14: {  	[tilespmem:s11], [sflag:$0x1] =	stream.linear.gather [hbm4b:s6+s3], $0x2800, $0x38;
	[tilespmem:$0x1D000] =	vst v63  }
0x15: {  	_ =	swait.ge [sflag:s10], $0x2800  }
0x16: {  	[sflag:s10] =	ssyncset.done $0x0  }
0x17: {  	[sflag:s10] =	ssyncadd.s32 $0xFFFFD800  }
0x18: {  	[spmem:s13], [sflag:s12] =	dma.local [hbm:s7], $0x2800  }
0x19: {  	_ =	swait.ge [sflag:s10], $0x2800  }
0x1a: {  	[sflag:s10] =	ssyncset.done $0x0  }
0x1b: {  	[sflag:s10] =	ssyncadd.s32 $0xFFFFD800  }
0x1c: {  	s17 =	simm.s32 $0x0;
	[bflag:$0x0] =	sbarrier.arrive $0xFFFF  }
0x1d: {  	[tilespmem:s15], [sflag:$0x1] =	stream.indirect.gather [hbm4b:s4+s14], $0x80, s17, s14, $0xb8;
	[tilespmem:$0x1D000] =	vst v63  }
0x1e: {  	_ =	swait.ge [sflag:s10], $0x4000  }
0x1f: {  	[sflag:s10] =	ssyncset.done $0x0  }
0x20: {  	s31 =	simm.s32 $0x2800;
	[sflag:s10] =	ssyncadd.s32 $0xFFFFC000  }
0x21: {  	[spmem:s2] =	stream.indirect.scatter.add.f32 [tilespmem:s15], [sflag:$0x1], $0x80, s31, s14, $0xb8;
	[tilespmem:$0x1D000] =	vst v63  }
0x22: {  	_ =	swait.ge [sflag:s10], $0x4000  }
0x23: {  	s18 =	simm.s32 $0x400;
	s17 =	simm.s32 $0x200;
	[sflag:s10] =	ssyncset.done $0x0  }
.LBB2_2:
0x24: {  	s19 =	sshra.s32 s17, $0x2  }
0x25: {  	[sflag:s10] =	ssyncadd.s32 $0xFFFFC000;
	s17 =	smov.u32 s18;
	s20 =	sadd.s32 $0x200, s18  }
0x26: {  	[tilespmem:s15], [sflag:$0x1] =	stream.indirect.gather [hbm4b:s4+s14], $0x80, s19, s14, $0xb8;
	[tilespmem:$0x1D000] =	vst v63  }
0x27: {  	p0 =	sne.s32 s18, $0x9E00;
	_ =	swait.ge [sflag:s10], $0x4000  }
.Ltmp0:
0x28: {  	[sflag:s10] =	ssyncset.done $0x0;
	(pc) =	sbr.rel @p0 .LBB2_2-.Ltmp0, $4  }
0x29: {  	s18 =	sadd.s32 $0x2800, s19;
	[sflag:s10] =	ssyncadd.s32 $0xFFFFC000  }
0x2a: {  	[spmem:s2] =	stream.indirect.scatter.add.f32 [tilespmem:s15], [sflag:$0x1], $0x80, s18, s14, $0xb8;
	[tilespmem:$0x1D000] =	vst v63  }
0x2b: {  	_ =	swait.ge [sflag:s10], $0x4000  }
0x2c: {  	s18 =	smov.u32 s20;
	[sflag:s10] =	ssyncset.done $0x0  }
0x2d: {  	s17 =	sshra.s32 s17, $0x2;
	[sflag:s10] =	ssyncadd.s32 $0xFFFFC000  }
0x2e: {  	[tilespmem:s15], [sflag:$0x1] =	stream.indirect.gather [hbm4b:s4+s14], $0x80, s17, s14, $0xb8;
	[tilespmem:$0x1D000] =	vst v63  }
0x2f: {  	_ =	swait.ge [sflag:s10], $0x4000  }
0x30: {  	[sflag:s10] =	ssyncset.done $0x0  }
0x31: {  	s17 =	sadd.s32 $0x2800, s17;
	[sflag:s10] =	ssyncadd.s32 $0xFFFFC000  }
0x32: {  	[spmem:s2] =	stream.indirect.scatter.add.f32 [tilespmem:s15], [sflag:$0x1], $0x80, s17, s14, $0xb8;
	[tilespmem:$0x1D000] =	vst v63  }
0x33: {  	_ =	swait.ge [sflag:s10], $0x4000  }
0x34: {  	s16 =	sadd.s32 $0x1, s16;
	[sflag:s10] =	ssyncset.done $0x0  }
0x35: {  	p0 =	sne.s32 s16, s9;
	[sflag:s10] =	ssyncadd.s32 $0xFFFFC000  }
.Ltmp1:
0x36: {  	[bflag:$0x0] =	sbarrier.arrive $0xFFFF;
	(pc) =	sbr.rel @p0 .LBB2_1-.Ltmp1, $4  }
0x37: {  	[hbm:s8], [sflag:s12] =	dma.local [spmem:s13], $0x2800  }
0x38: {  	_ =	swait.ge [sflag:s10], $0x2800  }
0x39: {  	[sflag:s10] =	ssyncset.done $0x0  }
0x3a: {  	[sflag:s10] =	ssyncadd.s32 $0xFFFFD800  }
0x3b: {  	_ =	sfence.sel $0x180000  }
0x3c: {  	[bflag:$0x0] =	sbarrier.arrive $0xFFFF  }
0x3d: {  	p0 =	sne.s32 s0, $0x0;
	_ =	strace $0x9000004A  }
0x3e: {  	s0 =	sadd.s32 @!p0 $0x100000, s1;
	[bflag:$0x2] =	sbarrier.arrive $0xFFFF  }
0x3f: {  	[sflag:s0] =	ssyncadd.tile.s32 @!p0 $0x1;
	_ =	shalt  }
.Lfunc_end2:
_tile_overlayer_lowered:
.L_overlay_start_2:
0x40: {  	(tag) =	ssettag $0x2  }
0x41: {  	s0 =	rddreg [dreg:$0x0];
	s2 =	stileid.u32  }
0x42: {  	s1 =	rddreg [dreg:$0x1];
	p0 =	sne.s32 s2, $0x0  }
0x43: {  	s3 =	rddreg [dreg:$0x2];
	[bflag:$0x3] =	sbarrier.arrive $0xFFFF;
	s2 =	simm.s32 @!p0 $0x1C01  }
0x44: {  	[timem:s3], [sflag:s2] =	dma.local @!p0 [hbm:s0], s1  }
0x45: {  	s0 =	simm.s32 @!p0 $0x1  }
0x46: {  	_ =	swait.ge @!p0 [sflag:s0], s1  }
0x47: {  	s1 =	ssub.s32 @!p0 $0x0, s1;
	[sflag:s0] =	ssyncset.done @!p0 $0x0  }
0x48: {  	[sflag:s0] =	ssyncadd.s32 @!p0 s1  }
0x49: {  	[bflag:$0x3] =	sbarrier.arrive $0xFFFF  }
0x4a: {  	_ =	shalt  }

// kernel: kernel.16.cloned.1.call-start
scs
__scs_entry_jumppad:
0x0: {  	(pc) =	sbr.rel $0x88, $3  }
0x1: {  	(tag) =	ssettag $0x0;
	lr =	simm.s32 $0x1  }
0x2: {  	[smem:$0x3F99] =	sst lr;
	_ =	strace $0xD0000000  }
0x3: {  	_ = 	snop  }
0x4: {  	_ = 	snop  }
0x5: {  	_ = 	snop  }
0x6: {  	_ = 	snop  }
0x7: {  	_ = 	snop  }
__scs_overlays_trampoline_lowered:
0x8: {  	[smem:$0x3FA8] =	sst s0  }
0x9: {  	[smem:$0x3FA9] =	sst s1  }
0xa: {  	[smem:$0x3FAA] =	sst s2  }
0xb: {  	[smem:$0x3FAB] =	sst s3  }
0xc: {  	[smem:$0x3FAC] =	sst s4  }
0xd: {  	[smem:$0x3FAD] =	sst s5  }
0xe: {  	[smem:$0x3FAE] =	sst s6  }
0xf: {  	[smem:$0x3FAF] =	sst s7  }
0x10: {  	[smem:$0x3FB0] =	sst s8  }
0x11: {  	[smem:$0x3FB1] =	sst s9;
	s0 =	simm.s32 @!p0 $0x0  }
0x12: {  	s1 =	sld [smem:$0x3F97];
	s0 =	simm.s32 @p0 $0x1  }
0x13: {  	[smem:$0x3FB2] =	sst s0;
	s0 =	simm.s32 @!p1 $0x0  }
0x14: {  	s2 =	sld [smem:$0x3F96];
	s0 =	simm.s32 @p1 $0x1  }
0x15: {  	[smem:$0x3FB3] =	sst s0;
	s0 =	simm.s32 @!p2 $0x0  }
0x16: {  	s3 =	sld [smem:$0x3FDB];
	s0 =	simm.s32 @p2 $0x1  }
0x17: {  	s4 =	simm.s32 $0x1BF5;
	[smem:$0x3FB5] =	sst s0  }
0x18: {  	s0 =	sld [smem:$0x3F98];
	_ =	swait.ge [sflag:s4], $0x0  }
0x19: {  	s7 =	sld [smem:$0x3F99]  }
0x1a: {  	s8 =	sadd.s32 $0xFFFFE003, lr  }
0x1b: {  	s9 =	sadd.s32 $0xFFFFFEF7, lr;
	s5 =	simm.s32 $0xFFFFFFFF;
	p2 =	slt.u32 s8, $0xFFFFF086  }
0x1c: {  	p1 =	slt.u32 s9, $0xF7A;
	s5 =	simm.s32 @!p2 $0x0  }
0x1d: {  	s5 =	simm.s32 @p1 $0x1;
	p0 =	seq.s32 s7, s2  }
0x1e: {  	s7 =	smul.u32 @!p0 $0xF7A, s2;
	p2 =	seq.s32 @!p0 s5, $0x0  }
0x1f: {  	s9 =	smul.u32 $0xF7A, s1;
	s8 =	simm.s32 @!p0 $0x1BF5;
	p2 =	por !p2, p0  }
0x20: {  	[sflag:s8] =	ssyncset.s32 @!p0 $0xFFFFF086;
	s6 =	sadd.s32 @!p0 s3, s7;
	s7 =	simm.s32 @!p0 $0x108  }
0x21: {  	s3 =	sadd.s32 s3, s9;
	s6 =	sadd.s32 @!p0 $0x88, s6;
	s7 =	simm.s32 @p2 $0x1082  }
0x22: {  	[simem:s7], [sflag:s8] =	dma.local @!p0 [hbm:s6], $0xF7A  }
0x23: {  	s9 =	sor.u32 $0xD0000000, s2;
	s6 =	simm.s32 $0x108;
	_ =	swait.ge @!p0 [sflag:s8], $0x0  }
0x24: {  	s3 =	sadd.s32 $0x88, s3;
	s6 =	simm.s32 @!p1 $0x1082;
	[sflag:s4] =	ssyncset.s32 $0xFFFFF086  }
0x25: {  	[simem:s6], [sflag:s4] =	dma.local [hbm:s3], $0xF7A  }
0x26: {  	[smem:$0x3F99] =	sst s1;
	(tag) =	ssettag s2;
	_ =	strace s9  }
0x27: {  	s1 =	sld [smem:$0x3FA9]  }
0x28: {  	s2 =	sld [smem:$0x3FAA]  }
0x29: {  	s4 =	sld [smem:$0x3FAC]  }
0x2a: {  	p0 =	seq.s32 s5, $0x0;
	s5 =	sld [smem:$0x3FAD]  }
0x2b: {  	s6 =	sld [smem:$0x3FAE]  }
0x2c: {  	s7 =	sld [smem:$0x3FAF]  }
0x2d: {  	s3 =	simm.s32 $0x108;
	s8 =	sld [smem:$0x3FB0]  }
0x2e: {  	s3 =	simm.s32 @!p0 $0x1082;
	s9 =	sld [smem:$0x3FB1]  }
0x2f: {  	lr =	sadd.s32 s0, s3;
	s0 =	sld [smem:$0x3FA8]  }
0x30: {  	s3 =	sld [smem:$0x3FAB]  }
0x31: {  	[smem:$0x3FB4] =	sst s10  }
0x32: {  	s10 =	sld [smem:$0x3FB2];
	_ =	sdelay $0x3  }
0x33: {  	p0 =	seq.s32 s10, $0x1;
	s10 =	sld [smem:$0x3FB4];
	_ =	sdelay $0x3  }
0x34: {  	[smem:$0x3FB4] =	sst s10  }
0x35: {  	s10 =	sld [smem:$0x3FB3];
	_ =	sdelay $0x3  }
0x36: {  	p1 =	seq.s32 s10, $0x1;
	s10 =	sld [smem:$0x3FB4];
	_ =	sdelay $0x3  }
0x37: {  	[smem:$0x3FB4] =	sst s10  }
0x38: {  	s10 =	sld [smem:$0x3FB5]  }
0x39: {  	_ = 	snop;
	(pc) =	sbr.ind lr, $3  }
0x3a: {  	_ = 	snop  }
0x3b: {  	_ = 	snop  }
0x3c: {  	p2 =	seq.s32 s10, $0x1;
	s10 =	sld [smem:$0x3FB4]  }
0x3d: {  	_ =	shalt  }
0x3e: {  	_ =	shalt  }
0x3f: {  	_ =	shalt  }
0x40: {  	_ =	shalt  }
0x41: {  	_ =	shalt  }
0x42: {  	_ =	shalt  }
0x43: {  	_ =	shalt  }
0x44: {  	_ =	shalt  }
0x45: {  	_ =	shalt  }
0x46: {  	_ =	shalt  }
0x47: {  	_ =	shalt  }
0x48: {  	_ =	shalt  }
0x49: {  	_ =	shalt  }
0x4a: {  	_ =	shalt  }
0x4b: {  	_ =	shalt  }
0x4c: {  	_ =	shalt  }
0x4d: {  	_ =	shalt  }
0x4e: {  	_ =	shalt  }
0x4f: {  	_ =	shalt  }
0x50: {  	_ =	shalt  }
0x51: {  	_ =	shalt  }
0x52: {  	_ =	shalt  }
0x53: {  	_ =	shalt  }
0x54: {  	_ =	shalt  }
0x55: {  	_ =	shalt  }
0x56: {  	_ =	shalt  }
0x57: {  	_ =	shalt  }
0x58: {  	_ =	shalt  }
0x59: {  	_ =	shalt  }
0x5a: {  	_ =	shalt  }
0x5b: {  	_ =	shalt  }
0x5c: {  	_ =	shalt  }
0x5d: {  	_ =	shalt  }
0x5e: {  	_ =	shalt  }
0x5f: {  	_ =	shalt  }
0x60: {  	_ =	shalt  }
0x61: {  	_ =	shalt  }
0x62: {  	_ =	shalt  }
0x63: {  	_ =	shalt  }
0x64: {  	_ =	shalt  }
0x65: {  	_ =	shalt  }
0x66: {  	_ =	shalt  }
0x67: {  	_ =	shalt  }
0x68: {  	_ =	shalt  }
0x69: {  	_ =	shalt  }
0x6a: {  	_ =	shalt  }
0x6b: {  	_ =	shalt  }
0x6c: {  	_ =	shalt  }
0x6d: {  	_ =	shalt  }
0x6e: {  	_ =	shalt  }
0x6f: {  	_ =	shalt  }
0x70: {  	_ =	shalt  }
0x71: {  	_ =	shalt  }
0x72: {  	_ =	shalt  }
0x73: {  	_ =	shalt  }
0x74: {  	_ =	shalt  }
0x75: {  	_ =	shalt  }
0x76: {  	_ =	shalt  }
0x77: {  	_ =	shalt  }
0x78: {  	_ =	shalt  }
0x79: {  	_ =	shalt  }
0x7a: {  	_ =	shalt  }
0x7b: {  	_ =	shalt  }
0x7c: {  	_ =	shalt  }
0x7d: {  	_ =	shalt  }
0x7e: {  	_ =	shalt  }
0x7f: {  	_ =	shalt  }
0x80: {  	_ =	shalt  }
0x81: {  	_ =	shalt  }
0x82: {  	_ =	shalt  }
0x83: {  	_ =	shalt  }
0x84: {  	_ =	shalt  }
0x85: {  	_ =	shalt  }
0x86: {  	_ =	shalt  }
0x87: {  	_ =	shalt  }
.Lfunc_end0:
.L_simem_size_0:
called_computation.2_lowered:
.L_overlay_start_0:
0x88: {  	s2 =	sld [smem:$0x3FD9]  }
0x89: {  	s3 =	sld [smem:$0x3FFE];
	_ =	sdelay $0x1  }
0x8a: {  	s1 =	srdreg.scid  }
0x8b: {  	s0 =	sand.u32 $0x1, s1  }
0x8c: {  	s17 =	sshll.u32 s0, $0xA;
	s2 =	sadd.s32 s3, s2  }
0x8d: {  	s2 =	sadd.s32 s2, s17  }
0x8e: {  	[smem:$0x3FC0] =	sst s2  }
0x8f: {  	_ = 	snop  }
0x90: {  	s2 =	sld [smem:$0x3FD0];
	(tm) =	ssettm $0x1  }
0x91: {  	s18 =	sld [smem:$0x3FFB];
	_ =	sdelay $0x3  }
0x92: {  	_ =	strace s18  }
0x93: {  	s3 =	sld [smem:$0x3FFC];
	_ =	sdelay $0x3  }
0x94: {  	_ =	strace s3  }
0x95: {  	s3 =	sld [smem:$0x3FFD];
	_ =	sdelay $0x3  }
0x96: {  	_ =	strace s3  }
0x97: {  	_ =	strace $0x8FFFFFFF  }
0x98: {  	s19 =	sld [smem:$0x3FDB];
	_ =	sdelay $0x1  }
0x99: {  	s4 =	simm.s32 $_scs_section_size  }
0x9a: {  	s5 =	simm.s32 $_size__tile_overlayer_lowered;
	s6 =	simm.s32 $_tile_overlayer_lowered  }
0x9b: {  	s22 =	simm.s32 $0x1BFF;
	s21 =	sshll.u32 s6, $0x1;
	s3 =	sadd.s32 s4, s19  }
0x9c: {  	s7 =	simm.s32 $0x0;
	s20 =	sshll.u32 s5, $0x1;
	s5 =	sadd.s32 s21, s3  }
0x9d: {  	[timem:s7], [sflag:s22] =	dma.local [hbm:s5], s20  }
0x9e: {  	_ =	swait.ge [sflag:s22], s20  }
0x9f: {  	s4 =	ssub.s32 $0x0, s20;
	[sflag:s22] =	ssyncset.done $0x0  }
0xa0: {  	[sflag:s22] =	ssyncadd.s32 s4;
	_ =	sdelay $0x1  }
0xa1: {  	s23 =	simm.s32 $0x1B8B  }
0xa2: {  	_ =	swait.ge [sflag:s23], $0x1  }
0xa3: {  	[sflag:s23] =	ssyncset.done $0x0  }
0xa4: {  	s25 =	simm.s32 $0x1B8E;
	s24 =	sld [smem:$0x3FFE];
	[sflag:s23] =	ssyncadd.s32 $0xFFFFFFFF  }
0xa5: {  	s26 =	simm.s32 $execute0_lowered;
	[smem:$0x3FD2] =	sst s25  }
0xa6: {  	s5 =	sshll.u32 s26, $0x1;
	_ =	strace $0x8000004C;
	[dreg:$0x1] =	wrdreg $0xFFFFFFFF  }
0xa7: {  	s28 =	simm.s32 $_size_execute0_lowered;
	s3 =	sadd.s32 s3, s5;
	[dreg:$0x0] =	wrdreg $0x0  }
0xa8: {  	s5 =	sshll.u32 s28, $0x1;
	[dreg:$0x2] =	wrdreg s3  }
0xa9: {  	[dreg:$0x3] =	wrdreg s5  }
0xaa: {  	[dreg:$0x4] =	wrdreg $0xC0  }
0xab: {  	_ =	task [dreg:s7], $0x5FFFF  }
0xac: {  	[dreg:$0x1] =	wrdreg $0xFFFFFFFF  }
0xad: {  	[dreg:$0x0] =	wrdreg $0x60  }
0xae: {  	[dreg:$0x2] =	wrdreg s24  }
0xaf: {  	[dreg:$0x3] =	wrdreg s2  }
0xb0: {  	[dreg:$0x4] =	wrdreg $0x90000  }
0xb1: {  	[dreg:$0x5] =	wrdreg $0x9  }
0xb2: {  	_ =	task.clear_ibuf [dreg:s7], $0x6FFFF;
	_ =	strace $0x9000004C  }
0xb3: {  	s29 =	simm.s32 $0x9;
	_ =	strace $0x8000004E  }
0xb4: {  	_ =	swait.ge [sflag:s29], $0x1  }
0xb5: {  	[sflag:s29] =	ssyncadd.s32 $0xFFFFFFFF  }
0xb6: {  	_ =	strace $0x9000004E  }
0xb7: {  	_ =	sfence  }
0xb8: {  	s30 =	sld [smem:$0x0];
	_ =	sdelay $0x2  }
0xb9: {  	s31 =	sshll.u32 s1, $0xD;
	s1 =	sshrl.u32 s1, $0x2  }
0xba: {  	s3 =	sand.u32 $0x4000, s31;
	s1 =	sadd.s32 s1, s30  }
0xbb: {  	s0 =	sor.u32 s3, s0;
	s1 =	sshll.u32 s1, $0x11  }
0xbc: {  	s0 =	sor.u32 s1, s0  }
0xbd: {  	s0 =	sadd.s32 $0x8F2B, s0  }
0xbe: {  	[sflag:s0] =	ssyncadd.remote.s32 $0x1  }
0xbf: {  	_ =	sfence.sel $0xFFFF  }
0xc0: {  	[dreg:$0x0] =	wrdreg $0xFFFFFFFF;
	(pc) =	sbr.abs _section_cstart, $3  }
0xc1: {  	[dreg:$0x1] =	wrdreg $0xFFFFFFFF  }
0xc2: {  	_ =	task.clear_ibuf [dreg:s7], $0x2FFFF;
	_ =	strace $0x9FFFFFFF  }
0xc3: {  	(tm) =	ssettm $0x7FFFFFFF  }
tec
execute0_lowered:
.L_overlay_start_1:
0x0: {  	(tag) =	ssettag $0x1  }
0x1: {  	s6 =	rddreg [dreg:$0x0]  }
0x2: {  	s7 =	rddreg [dreg:$0x1]  }
0x3: {  	s0 =	srdreg.scid;
	s2 =	rddreg [dreg:$0x2];
	s3 =	simm.s32 $0x0  }
0x4: {  	s14 =	simm.s32 $0x80;
	s5 =	sand.u32 $0x1, s0;
	s0 =	stileid.u32  }
0x5: {  	s15 =	simm.s32 $0x5000;
	s16 =	simm.s32 $0x0;
	s9 =	smul.u32 $0x14000, s0  }
0x6: {  	[smem:$0x7FF] =	sst s3;
	s4 =	sadd.s32 $0x86200, s6;
	s10 =	smul.u32 $0x140000, s5  }
0x7: {  	s1 =	sshll.u32 s5, $0x4;
	s5 =	ssub.s32 $0x2, s5;
	s13 =	smul.u32 $0x50000, s0  }
0x8: {  	s31 =	sshll.u32 s0, $0x6;
	s1 =	sor.u32 s0, s1;
	s29 =	sshrl.u32 s5, $0x1  }
0x9: {  	s8 =	smul.u32 $0x500, s1;
	s1 =	rddreg [dreg:$0x3];
	_ =	strace $0x8000004D  }
0xa: {  	s12 =	sshrl.u32 s9, $0x3;
	s9 =	sadd.s32 s9, s10;
	s10 =	ssub.s32 s5, s29  }
0xb: {  	s30 =	sshrl.u32 s13, $0x2;
	s9 =	sshrl.u32 s9, $0x3;
	s12 =	sadd.s32 s12, s6  }
0xc: {  	s13 =	sadd.s32 s30, s2;
	s11 =	sadd.s32 s8, s6;
	s9 =	sadd.s32 s9, s6  }
0xd: {  	s5 =	sadd.s32 s7, s8;
	s7 =	sadd.s32 $0x36200, s12;
	s12 =	sor.u32 $0x1C01, s31  }
0xe: {  	s13 =	sshrl.u32 s13, $0x3;
	s6 =	sadd.s32 $0x4200, s11;
	s8 =	sadd.s32 $0xAE200, s9  }
0xf: {  	s9 =	smax.u32 s10, $0x1;
	s10 =	simm.s32 $0x1;
	s11 =	simm.s32 $0x2800  }
.LBB2_1:
0x10: {  	[tilespmem:s3], [sflag:$0x1] =	stream.linear.gather [hbm4b:s5+s3], $0x2800, $0x38;
	[tilespmem:$0x1D000] =	vst v63  }
0x11: {  	_ =	swait.ge [sflag:s10], $0x2800  }
0x12: {  	[sflag:s10] =	ssyncset.done $0x0  }
0x13: {  	[sflag:s10] =	ssyncadd.s32 $0xFFFFD800  }
0x14: {  	[tilespmem:s11], [sflag:$0x1] =	stream.linear.gather [hbm4b:s6+s3], $0x2800, $0x38;
	[tilespmem:$0x1D000] =	vst v63  }
0x15: {  	_ =	swait.ge [sflag:s10], $0x2800  }
0x16: {  	[sflag:s10] =	ssyncset.done $0x0  }
0x17: {  	[sflag:s10] =	ssyncadd.s32 $0xFFFFD800  }
0x18: {  	[spmem:s13], [sflag:s12] =	dma.local [hbm:s7], $0x2800  }
0x19: {  	_ =	swait.ge [sflag:s10], $0x2800  }
0x1a: {  	[sflag:s10] =	ssyncset.done $0x0  }
0x1b: {  	[sflag:s10] =	ssyncadd.s32 $0xFFFFD800  }
0x1c: {  	s17 =	simm.s32 $0x0;
	[bflag:$0x0] =	sbarrier.arrive $0xFFFF  }
0x1d: {  	[tilespmem:s15], [sflag:$0x1] =	stream.indirect.gather [hbm4b:s4+s14], $0x80, s17, s14, $0xb8;
	[tilespmem:$0x1D000] =	vst v63  }
0x1e: {  	_ =	swait.ge [sflag:s10], $0x4000  }
0x1f: {  	[sflag:s10] =	ssyncset.done $0x0  }
0x20: {  	s31 =	simm.s32 $0x2800;
	[sflag:s10] =	ssyncadd.s32 $0xFFFFC000  }
0x21: {  	[spmem:s2] =	stream.indirect.scatter.add.f32 [tilespmem:s15], [sflag:$0x1], $0x80, s31, s14, $0xb8;
	[tilespmem:$0x1D000] =	vst v63  }
0x22: {  	_ =	swait.ge [sflag:s10], $0x4000  }
0x23: {  	s18 =	simm.s32 $0x400;
	s17 =	simm.s32 $0x200;
	[sflag:s10] =	ssyncset.done $0x0  }
.LBB2_2:
0x24: {  	s19 =	sshra.s32 s17, $0x2  }
0x25: {  	[sflag:s10] =	ssyncadd.s32 $0xFFFFC000;
	s17 =	smov.u32 s18;
	s20 =	sadd.s32 $0x200, s18  }
0x26: {  	[tilespmem:s15], [sflag:$0x1] =	stream.indirect.gather [hbm4b:s4+s14], $0x80, s19, s14, $0xb8;
	[tilespmem:$0x1D000] =	vst v63  }
0x27: {  	p0 =	sne.s32 s18, $0x9E00;
	_ =	swait.ge [sflag:s10], $0x4000  }
.Ltmp0:
0x28: {  	[sflag:s10] =	ssyncset.done $0x0;
	(pc) =	sbr.rel @p0 .LBB2_2-.Ltmp0, $4  }
0x29: {  	s18 =	sadd.s32 $0x2800, s19;
	[sflag:s10] =	ssyncadd.s32 $0xFFFFC000  }
0x2a: {  	[spmem:s2] =	stream.indirect.scatter.add.f32 [tilespmem:s15], [sflag:$0x1], $0x80, s18, s14, $0xb8;
	[tilespmem:$0x1D000] =	vst v63  }
0x2b: {  	_ =	swait.ge [sflag:s10], $0x4000  }
0x2c: {  	s18 =	smov.u32 s20;
	[sflag:s10] =	ssyncset.done $0x0  }
0x2d: {  	s17 =	sshra.s32 s17, $0x2;
	[sflag:s10] =	ssyncadd.s32 $0xFFFFC000  }
0x2e: {  	[tilespmem:s15], [sflag:$0x1] =	stream.indirect.gather [hbm4b:s4+s14], $0x80, s17, s14, $0xb8;
	[tilespmem:$0x1D000] =	vst v63  }
0x2f: {  	_ =	swait.ge [sflag:s10], $0x4000  }
0x30: {  	[sflag:s10] =	ssyncset.done $0x0  }
0x31: {  	s17 =	sadd.s32 $0x2800, s17;
	[sflag:s10] =	ssyncadd.s32 $0xFFFFC000  }
0x32: {  	[spmem:s2] =	stream.indirect.scatter.add.f32 [tilespmem:s15], [sflag:$0x1], $0x80, s17, s14, $0xb8;
	[tilespmem:$0x1D000] =	vst v63  }
0x33: {  	_ =	swait.ge [sflag:s10], $0x4000  }
0x34: {  	s16 =	sadd.s32 $0x1, s16;
	[sflag:s10] =	ssyncset.done $0x0  }
0x35: {  	p0 =	sne.s32 s16, s9;
	[sflag:s10] =	ssyncadd.s32 $0xFFFFC000  }
.Ltmp1:
0x36: {  	[bflag:$0x0] =	sbarrier.arrive $0xFFFF;
	(pc) =	sbr.rel @p0 .LBB2_1-.Ltmp1, $4  }
0x37: {  	[hbm:s8], [sflag:s12] =	dma.local [spmem:s13], $0x2800  }
0x38: {  	_ =	swait.ge [sflag:s10], $0x2800  }
0x39: {  	[sflag:s10] =	ssyncset.done $0x0  }
0x3a: {  	[sflag:s10] =	ssyncadd.s32 $0xFFFFD800  }
0x3b: {  	_ =	sfence.sel $0x180000  }
0x3c: {  	[bflag:$0x0] =	sbarrier.arrive $0xFFFF  }
0x3d: {  	p0 =	sne.s32 s0, $0x0;
	_ =	strace $0x9000004D  }
0x3e: {  	s0 =	sadd.s32 @!p0 $0x100000, s1;
	[bflag:$0x2] =	sbarrier.arrive $0xFFFF  }
0x3f: {  	[sflag:s0] =	ssyncadd.tile.s32 @!p0 $0x1;
	_ =	shalt  }
.Lfunc_end2:
_tile_overlayer_lowered:
.L_overlay_start_2:
0x40: {  	(tag) =	ssettag $0x2  }
0x41: {  	s0 =	rddreg [dreg:$0x0];
	s2 =	stileid.u32  }
0x42: {  	s1 =	rddreg [dreg:$0x1];
	p0 =	sne.s32 s2, $0x0  }
0x43: {  	s3 =	rddreg [dreg:$0x2];
	[bflag:$0x3] =	sbarrier.arrive $0xFFFF;
	s2 =	simm.s32 @!p0 $0x1C01  }
0x44: {  	[timem:s3], [sflag:s2] =	dma.local @!p0 [hbm:s0], s1  }
0x45: {  	s0 =	simm.s32 @!p0 $0x1  }
0x46: {  	_ =	swait.ge @!p0 [sflag:s0], s1  }
0x47: {  	s1 =	ssub.s32 @!p0 $0x0, s1;
	[sflag:s0] =	ssyncset.done @!p0 $0x0  }
0x48: {  	[sflag:s0] =	ssyncadd.s32 @!p0 s1  }
0x49: {  	[bflag:$0x3] =	sbarrier.arrive $0xFFFF  }
0x4a: {  	_ =	shalt  }

// kernel: kernel.19.cloned.1.call-start
scs
__scs_entry_jumppad:
0x0: {  	(pc) =	sbr.rel $0x88, $3  }
0x1: {  	(tag) =	ssettag $0x0;
	lr =	simm.s32 $0x1  }
0x2: {  	[smem:$0x3F99] =	sst lr;
	_ =	strace $0xD0000000  }
0x3: {  	_ = 	snop  }
0x4: {  	_ = 	snop  }
0x5: {  	_ = 	snop  }
0x6: {  	_ = 	snop  }
0x7: {  	_ = 	snop  }
__scs_overlays_trampoline_lowered:
0x8: {  	[smem:$0x3FA8] =	sst s0  }
0x9: {  	[smem:$0x3FA9] =	sst s1  }
0xa: {  	[smem:$0x3FAA] =	sst s2  }
0xb: {  	[smem:$0x3FAB] =	sst s3  }
0xc: {  	[smem:$0x3FAC] =	sst s4  }
0xd: {  	[smem:$0x3FAD] =	sst s5  }
0xe: {  	[smem:$0x3FAE] =	sst s6  }
0xf: {  	[smem:$0x3FAF] =	sst s7  }
0x10: {  	[smem:$0x3FB0] =	sst s8  }
0x11: {  	[smem:$0x3FB1] =	sst s9;
	s0 =	simm.s32 @!p0 $0x0  }
0x12: {  	s1 =	sld [smem:$0x3F97];
	s0 =	simm.s32 @p0 $0x1  }
0x13: {  	[smem:$0x3FB2] =	sst s0;
	s0 =	simm.s32 @!p1 $0x0  }
0x14: {  	s2 =	sld [smem:$0x3F96];
	s0 =	simm.s32 @p1 $0x1  }
0x15: {  	[smem:$0x3FB3] =	sst s0;
	s0 =	simm.s32 @!p2 $0x0  }
0x16: {  	s3 =	sld [smem:$0x3FDB];
	s0 =	simm.s32 @p2 $0x1  }
0x17: {  	s4 =	simm.s32 $0x1BF5;
	[smem:$0x3FB5] =	sst s0  }
0x18: {  	s0 =	sld [smem:$0x3F98];
	_ =	swait.ge [sflag:s4], $0x0  }
0x19: {  	s7 =	sld [smem:$0x3F99]  }
0x1a: {  	s8 =	sadd.s32 $0xFFFFE003, lr  }
0x1b: {  	s9 =	sadd.s32 $0xFFFFFEF7, lr;
	s5 =	simm.s32 $0xFFFFFFFF;
	p2 =	slt.u32 s8, $0xFFFFF086  }
0x1c: {  	p1 =	slt.u32 s9, $0xF7A;
	s5 =	simm.s32 @!p2 $0x0  }
0x1d: {  	s5 =	simm.s32 @p1 $0x1;
	p0 =	seq.s32 s7, s2  }
0x1e: {  	s7 =	smul.u32 @!p0 $0xF7A, s2;
	p2 =	seq.s32 @!p0 s5, $0x0  }
0x1f: {  	s9 =	smul.u32 $0xF7A, s1;
	s8 =	simm.s32 @!p0 $0x1BF5;
	p2 =	por !p2, p0  }
0x20: {  	[sflag:s8] =	ssyncset.s32 @!p0 $0xFFFFF086;
	s6 =	sadd.s32 @!p0 s3, s7;
	s7 =	simm.s32 @!p0 $0x108  }
0x21: {  	s3 =	sadd.s32 s3, s9;
	s6 =	sadd.s32 @!p0 $0x88, s6;
	s7 =	simm.s32 @p2 $0x1082  }
0x22: {  	[simem:s7], [sflag:s8] =	dma.local @!p0 [hbm:s6], $0xF7A  }
0x23: {  	s9 =	sor.u32 $0xD0000000, s2;
	s6 =	simm.s32 $0x108;
	_ =	swait.ge @!p0 [sflag:s8], $0x0  }
0x24: {  	s3 =	sadd.s32 $0x88, s3;
	s6 =	simm.s32 @!p1 $0x1082;
	[sflag:s4] =	ssyncset.s32 $0xFFFFF086  }
0x25: {  	[simem:s6], [sflag:s4] =	dma.local [hbm:s3], $0xF7A  }
0x26: {  	[smem:$0x3F99] =	sst s1;
	(tag) =	ssettag s2;
	_ =	strace s9  }
0x27: {  	s1 =	sld [smem:$0x3FA9]  }
0x28: {  	s2 =	sld [smem:$0x3FAA]  }
0x29: {  	s4 =	sld [smem:$0x3FAC]  }
0x2a: {  	p0 =	seq.s32 s5, $0x0;
	s5 =	sld [smem:$0x3FAD]  }
0x2b: {  	s6 =	sld [smem:$0x3FAE]  }
0x2c: {  	s7 =	sld [smem:$0x3FAF]  }
0x2d: {  	s3 =	simm.s32 $0x108;
	s8 =	sld [smem:$0x3FB0]  }
0x2e: {  	s3 =	simm.s32 @!p0 $0x1082;
	s9 =	sld [smem:$0x3FB1]  }
0x2f: {  	lr =	sadd.s32 s0, s3;
	s0 =	sld [smem:$0x3FA8]  }
0x30: {  	s3 =	sld [smem:$0x3FAB]  }
0x31: {  	[smem:$0x3FB4] =	sst s10  }
0x32: {  	s10 =	sld [smem:$0x3FB2];
	_ =	sdelay $0x3  }
0x33: {  	p0 =	seq.s32 s10, $0x1;
	s10 =	sld [smem:$0x3FB4];
	_ =	sdelay $0x3  }
0x34: {  	[smem:$0x3FB4] =	sst s10  }
0x35: {  	s10 =	sld [smem:$0x3FB3];
	_ =	sdelay $0x3  }
0x36: {  	p1 =	seq.s32 s10, $0x1;
	s10 =	sld [smem:$0x3FB4];
	_ =	sdelay $0x3  }
0x37: {  	[smem:$0x3FB4] =	sst s10  }
0x38: {  	s10 =	sld [smem:$0x3FB5]  }
0x39: {  	_ = 	snop;
	(pc) =	sbr.ind lr, $3  }
0x3a: {  	_ = 	snop  }
0x3b: {  	_ = 	snop  }
0x3c: {  	p2 =	seq.s32 s10, $0x1;
	s10 =	sld [smem:$0x3FB4]  }
0x3d: {  	_ =	shalt  }
0x3e: {  	_ =	shalt  }
0x3f: {  	_ =	shalt  }
0x40: {  	_ =	shalt  }
0x41: {  	_ =	shalt  }
0x42: {  	_ =	shalt  }
0x43: {  	_ =	shalt  }
0x44: {  	_ =	shalt  }
0x45: {  	_ =	shalt  }
0x46: {  	_ =	shalt  }
0x47: {  	_ =	shalt  }
0x48: {  	_ =	shalt  }
0x49: {  	_ =	shalt  }
0x4a: {  	_ =	shalt  }
0x4b: {  	_ =	shalt  }
0x4c: {  	_ =	shalt  }
0x4d: {  	_ =	shalt  }
0x4e: {  	_ =	shalt  }
0x4f: {  	_ =	shalt  }
0x50: {  	_ =	shalt  }
0x51: {  	_ =	shalt  }
0x52: {  	_ =	shalt  }
0x53: {  	_ =	shalt  }
0x54: {  	_ =	shalt  }
0x55: {  	_ =	shalt  }
0x56: {  	_ =	shalt  }
0x57: {  	_ =	shalt  }
0x58: {  	_ =	shalt  }
0x59: {  	_ =	shalt  }
0x5a: {  	_ =	shalt  }
0x5b: {  	_ =	shalt  }
0x5c: {  	_ =	shalt  }
0x5d: {  	_ =	shalt  }
0x5e: {  	_ =	shalt  }
0x5f: {  	_ =	shalt  }
0x60: {  	_ =	shalt  }
0x61: {  	_ =	shalt  }
0x62: {  	_ =	shalt  }
0x63: {  	_ =	shalt  }
0x64: {  	_ =	shalt  }
0x65: {  	_ =	shalt  }
0x66: {  	_ =	shalt  }
0x67: {  	_ =	shalt  }
0x68: {  	_ =	shalt  }
0x69: {  	_ =	shalt  }
0x6a: {  	_ =	shalt  }
0x6b: {  	_ =	shalt  }
0x6c: {  	_ =	shalt  }
0x6d: {  	_ =	shalt  }
0x6e: {  	_ =	shalt  }
0x6f: {  	_ =	shalt  }
0x70: {  	_ =	shalt  }
0x71: {  	_ =	shalt  }
0x72: {  	_ =	shalt  }
0x73: {  	_ =	shalt  }
0x74: {  	_ =	shalt  }
0x75: {  	_ =	shalt  }
0x76: {  	_ =	shalt  }
0x77: {  	_ =	shalt  }
0x78: {  	_ =	shalt  }
0x79: {  	_ =	shalt  }
0x7a: {  	_ =	shalt  }
0x7b: {  	_ =	shalt  }
0x7c: {  	_ =	shalt  }
0x7d: {  	_ =	shalt  }
0x7e: {  	_ =	shalt  }
0x7f: {  	_ =	shalt  }
0x80: {  	_ =	shalt  }
0x81: {  	_ =	shalt  }
0x82: {  	_ =	shalt  }
0x83: {  	_ =	shalt  }
0x84: {  	_ =	shalt  }
0x85: {  	_ =	shalt  }
0x86: {  	_ =	shalt  }
0x87: {  	_ =	shalt  }
.Lfunc_end0:
.L_simem_size_0:
called_computation.3_lowered:
.L_overlay_start_0:
0x88: {  	s2 =	sld [smem:$0x3FD9]  }
0x89: {  	s3 =	sld [smem:$0x3FFE];
	_ =	sdelay $0x1  }
0x8a: {  	s1 =	srdreg.scid  }
0x8b: {  	s0 =	sand.u32 $0x1, s1  }
0x8c: {  	s17 =	sshll.u32 s0, $0xA;
	s2 =	sadd.s32 s3, s2  }
0x8d: {  	s2 =	sadd.s32 s2, s17  }
0x8e: {  	[smem:$0x3FC0] =	sst s2  }
0x8f: {  	_ = 	snop  }
0x90: {  	s2 =	sld [smem:$0x3FD0];
	(tm) =	ssettm $0x1  }
0x91: {  	s18 =	sld [smem:$0x3FFB];
	_ =	sdelay $0x3  }
0x92: {  	_ =	strace s18  }
0x93: {  	s3 =	sld [smem:$0x3FFC];
	_ =	sdelay $0x3  }
0x94: {  	_ =	strace s3  }
0x95: {  	s3 =	sld [smem:$0x3FFD];
	_ =	sdelay $0x3  }
0x96: {  	_ =	strace s3  }
0x97: {  	_ =	strace $0x8FFFFFFF  }
0x98: {  	s19 =	sld [smem:$0x3FDB];
	_ =	sdelay $0x1  }
0x99: {  	s4 =	simm.s32 $_scs_section_size  }
0x9a: {  	s5 =	simm.s32 $_size__tile_overlayer_lowered;
	s6 =	simm.s32 $_tile_overlayer_lowered  }
0x9b: {  	s22 =	simm.s32 $0x1BFF;
	s21 =	sshll.u32 s6, $0x1;
	s3 =	sadd.s32 s4, s19  }
0x9c: {  	s7 =	simm.s32 $0x0;
	s20 =	sshll.u32 s5, $0x1;
	s5 =	sadd.s32 s21, s3  }
0x9d: {  	[timem:s7], [sflag:s22] =	dma.local [hbm:s5], s20  }
0x9e: {  	_ =	swait.ge [sflag:s22], s20  }
0x9f: {  	s4 =	ssub.s32 $0x0, s20;
	[sflag:s22] =	ssyncset.done $0x0  }
0xa0: {  	[sflag:s22] =	ssyncadd.s32 s4;
	_ =	sdelay $0x1  }
0xa1: {  	s23 =	simm.s32 $0x1B8B  }
0xa2: {  	_ =	swait.ge [sflag:s23], $0x1  }
0xa3: {  	[sflag:s23] =	ssyncset.done $0x0  }
0xa4: {  	s25 =	simm.s32 $0x1B8E;
	s24 =	sld [smem:$0x3FFE];
	[sflag:s23] =	ssyncadd.s32 $0xFFFFFFFF  }
0xa5: {  	s26 =	simm.s32 $execute0_lowered;
	[smem:$0x3FD2] =	sst s25  }
0xa6: {  	s5 =	sshll.u32 s26, $0x1;
	_ =	strace $0x8000004F;
	[dreg:$0x1] =	wrdreg $0xFFFFFFFF  }
0xa7: {  	s28 =	simm.s32 $_size_execute0_lowered;
	s3 =	sadd.s32 s3, s5;
	[dreg:$0x0] =	wrdreg $0x0  }
0xa8: {  	s5 =	sshll.u32 s28, $0x1;
	[dreg:$0x2] =	wrdreg s3  }
0xa9: {  	[dreg:$0x3] =	wrdreg s5  }
0xaa: {  	[dreg:$0x4] =	wrdreg $0xC0  }
0xab: {  	_ =	task [dreg:s7], $0x5FFFF  }
0xac: {  	[dreg:$0x1] =	wrdreg $0xFFFFFFFF  }
0xad: {  	[dreg:$0x0] =	wrdreg $0x60  }
0xae: {  	[dreg:$0x2] =	wrdreg s24  }
0xaf: {  	[dreg:$0x3] =	wrdreg s2  }
0xb0: {  	[dreg:$0x4] =	wrdreg $0x90000  }
0xb1: {  	[dreg:$0x5] =	wrdreg $0x9  }
0xb2: {  	_ =	task.clear_ibuf [dreg:s7], $0x6FFFF;
	_ =	strace $0x9000004F  }
0xb3: {  	s29 =	simm.s32 $0x9;
	_ =	strace $0x80000051  }
0xb4: {  	_ =	swait.ge [sflag:s29], $0x1  }
0xb5: {  	[sflag:s29] =	ssyncadd.s32 $0xFFFFFFFF  }
0xb6: {  	_ =	strace $0x90000051  }
0xb7: {  	_ =	sfence  }
0xb8: {  	s30 =	sld [smem:$0x0];
	_ =	sdelay $0x2  }
0xb9: {  	s31 =	sshll.u32 s1, $0xD;
	s1 =	sshrl.u32 s1, $0x2  }
0xba: {  	s3 =	sand.u32 $0x4000, s31;
	s1 =	sadd.s32 s1, s30  }
0xbb: {  	s0 =	sor.u32 s3, s0;
	s1 =	sshll.u32 s1, $0x11  }
0xbc: {  	s0 =	sor.u32 s1, s0  }
0xbd: {  	s0 =	sadd.s32 $0x8F2B, s0  }
0xbe: {  	[sflag:s0] =	ssyncadd.remote.s32 $0x1  }
0xbf: {  	_ =	sfence.sel $0xFFFF  }
0xc0: {  	[dreg:$0x0] =	wrdreg $0xFFFFFFFF;
	(pc) =	sbr.abs _section_cstart, $3  }
0xc1: {  	[dreg:$0x1] =	wrdreg $0xFFFFFFFF  }
0xc2: {  	_ =	task.clear_ibuf [dreg:s7], $0x2FFFF;
	_ =	strace $0x9FFFFFFF  }
0xc3: {  	(tm) =	ssettm $0x7FFFFFFF  }
tec
execute0_lowered:
.L_overlay_start_1:
0x0: {  	(tag) =	ssettag $0x1  }
0x1: {  	s6 =	rddreg [dreg:$0x0]  }
0x2: {  	s7 =	rddreg [dreg:$0x1]  }
0x3: {  	s0 =	srdreg.scid;
	s2 =	rddreg [dreg:$0x2];
	s3 =	simm.s32 $0x0  }
0x4: {  	s14 =	simm.s32 $0x80;
	s5 =	sand.u32 $0x1, s0;
	s0 =	stileid.u32  }
0x5: {  	s15 =	simm.s32 $0x5000;
	s16 =	simm.s32 $0x0;
	s9 =	smul.u32 $0x14000, s0  }
0x6: {  	[smem:$0x7FF] =	sst s3;
	s4 =	sadd.s32 $0x86200, s6;
	s10 =	smul.u32 $0x140000, s5  }
0x7: {  	s1 =	sshll.u32 s5, $0x4;
	s5 =	ssub.s32 $0x2, s5;
	s13 =	smul.u32 $0x50000, s0  }
0x8: {  	s31 =	sshll.u32 s0, $0x6;
	s1 =	sor.u32 s0, s1;
	s29 =	sshrl.u32 s5, $0x1  }
0x9: {  	s8 =	smul.u32 $0x500, s1;
	s1 =	rddreg [dreg:$0x3];
	_ =	strace $0x80000050  }
0xa: {  	s12 =	sshrl.u32 s9, $0x3;
	s9 =	sadd.s32 s9, s10;
	s10 =	ssub.s32 s5, s29  }
0xb: {  	s30 =	sshrl.u32 s13, $0x2;
	s9 =	sshrl.u32 s9, $0x3;
	s12 =	sadd.s32 s12, s6  }
0xc: {  	s13 =	sadd.s32 s30, s2;
	s11 =	sadd.s32 s8, s6;
	s9 =	sadd.s32 s9, s6  }
0xd: {  	s5 =	sadd.s32 s7, s8;
	s7 =	sadd.s32 $0x36200, s12;
	s12 =	sor.u32 $0x1C01, s31  }
0xe: {  	s13 =	sshrl.u32 s13, $0x3;
	s6 =	sadd.s32 $0x4200, s11;
	s8 =	sadd.s32 $0xAE200, s9  }
0xf: {  	s9 =	smax.u32 s10, $0x1;
	s10 =	simm.s32 $0x1;
	s11 =	simm.s32 $0x2800  }
.LBB2_1:
0x10: {  	[tilespmem:s3], [sflag:$0x1] =	stream.linear.gather [hbm4b:s5+s3], $0x2800, $0x38;
	[tilespmem:$0x1D000] =	vst v63  }
0x11: {  	_ =	swait.ge [sflag:s10], $0x2800  }
0x12: {  	[sflag:s10] =	ssyncset.done $0x0  }
0x13: {  	[sflag:s10] =	ssyncadd.s32 $0xFFFFD800  }
0x14: {  	[tilespmem:s11], [sflag:$0x1] =	stream.linear.gather [hbm4b:s6+s3], $0x2800, $0x38;
	[tilespmem:$0x1D000] =	vst v63  }
0x15: {  	_ =	swait.ge [sflag:s10], $0x2800  }
0x16: {  	[sflag:s10] =	ssyncset.done $0x0  }
0x17: {  	[sflag:s10] =	ssyncadd.s32 $0xFFFFD800  }
0x18: {  	[spmem:s13], [sflag:s12] =	dma.local [hbm:s7], $0x2800  }
0x19: {  	_ =	swait.ge [sflag:s10], $0x2800  }
0x1a: {  	[sflag:s10] =	ssyncset.done $0x0  }
0x1b: {  	[sflag:s10] =	ssyncadd.s32 $0xFFFFD800  }
0x1c: {  	s17 =	simm.s32 $0x0;
	[bflag:$0x0] =	sbarrier.arrive $0xFFFF  }
0x1d: {  	[tilespmem:s15], [sflag:$0x1] =	stream.indirect.gather [hbm4b:s4+s14], $0x80, s17, s14, $0xb8;
	[tilespmem:$0x1D000] =	vst v63  }
0x1e: {  	_ =	swait.ge [sflag:s10], $0x4000  }
0x1f: {  	[sflag:s10] =	ssyncset.done $0x0  }
0x20: {  	s31 =	simm.s32 $0x2800;
	[sflag:s10] =	ssyncadd.s32 $0xFFFFC000  }
0x21: {  	[spmem:s2] =	stream.indirect.scatter.add.f32 [tilespmem:s15], [sflag:$0x1], $0x80, s31, s14, $0xb8;
	[tilespmem:$0x1D000] =	vst v63  }
0x22: {  	_ =	swait.ge [sflag:s10], $0x4000  }
0x23: {  	s18 =	simm.s32 $0x400;
	s17 =	simm.s32 $0x200;
	[sflag:s10] =	ssyncset.done $0x0  }
.LBB2_2:
0x24: {  	s19 =	sshra.s32 s17, $0x2  }
0x25: {  	[sflag:s10] =	ssyncadd.s32 $0xFFFFC000;
	s17 =	smov.u32 s18;
	s20 =	sadd.s32 $0x200, s18  }
0x26: {  	[tilespmem:s15], [sflag:$0x1] =	stream.indirect.gather [hbm4b:s4+s14], $0x80, s19, s14, $0xb8;
	[tilespmem:$0x1D000] =	vst v63  }
0x27: {  	p0 =	sne.s32 s18, $0x9E00;
	_ =	swait.ge [sflag:s10], $0x4000  }
.Ltmp0:
0x28: {  	[sflag:s10] =	ssyncset.done $0x0;
	(pc) =	sbr.rel @p0 .LBB2_2-.Ltmp0, $4  }
0x29: {  	s18 =	sadd.s32 $0x2800, s19;
	[sflag:s10] =	ssyncadd.s32 $0xFFFFC000  }
0x2a: {  	[spmem:s2] =	stream.indirect.scatter.add.f32 [tilespmem:s15], [sflag:$0x1], $0x80, s18, s14, $0xb8;
	[tilespmem:$0x1D000] =	vst v63  }
0x2b: {  	_ =	swait.ge [sflag:s10], $0x4000  }
0x2c: {  	s18 =	smov.u32 s20;
	[sflag:s10] =	ssyncset.done $0x0  }
0x2d: {  	s17 =	sshra.s32 s17, $0x2;
	[sflag:s10] =	ssyncadd.s32 $0xFFFFC000  }
0x2e: {  	[tilespmem:s15], [sflag:$0x1] =	stream.indirect.gather [hbm4b:s4+s14], $0x80, s17, s14, $0xb8;
	[tilespmem:$0x1D000] =	vst v63  }
0x2f: {  	_ =	swait.ge [sflag:s10], $0x4000  }
0x30: {  	[sflag:s10] =	ssyncset.done $0x0  }
0x31: {  	s17 =	sadd.s32 $0x2800, s17;
	[sflag:s10] =	ssyncadd.s32 $0xFFFFC000  }
0x32: {  	[spmem:s2] =	stream.indirect.scatter.add.f32 [tilespmem:s15], [sflag:$0x1], $0x80, s17, s14, $0xb8;
	[tilespmem:$0x1D000] =	vst v63  }
0x33: {  	_ =	swait.ge [sflag:s10], $0x4000  }
0x34: {  	s16 =	sadd.s32 $0x1, s16;
	[sflag:s10] =	ssyncset.done $0x0  }
0x35: {  	p0 =	sne.s32 s16, s9;
	[sflag:s10] =	ssyncadd.s32 $0xFFFFC000  }
.Ltmp1:
0x36: {  	[bflag:$0x0] =	sbarrier.arrive $0xFFFF;
	(pc) =	sbr.rel @p0 .LBB2_1-.Ltmp1, $4  }
0x37: {  	[hbm:s8], [sflag:s12] =	dma.local [spmem:s13], $0x2800  }
0x38: {  	_ =	swait.ge [sflag:s10], $0x2800  }
0x39: {  	[sflag:s10] =	ssyncset.done $0x0  }
0x3a: {  	[sflag:s10] =	ssyncadd.s32 $0xFFFFD800  }
0x3b: {  	_ =	sfence.sel $0x180000  }
0x3c: {  	[bflag:$0x0] =	sbarrier.arrive $0xFFFF  }
0x3d: {  	p0 =	sne.s32 s0, $0x0;
	_ =	strace $0x90000050  }
0x3e: {  	s0 =	sadd.s32 @!p0 $0x100000, s1;
	[bflag:$0x2] =	sbarrier.arrive $0xFFFF  }
0x3f: {  	[sflag:s0] =	ssyncadd.tile.s32 @!p0 $0x1;
	_ =	shalt  }
.Lfunc_end2:
_tile_overlayer_lowered:
.L_overlay_start_2:
0x40: {  	(tag) =	ssettag $0x2  }
0x41: {  	s0 =	rddreg [dreg:$0x0];
	s2 =	stileid.u32  }
0x42: {  	s1 =	rddreg [dreg:$0x1];
	p0 =	sne.s32 s2, $0x0  }
0x43: {  	s3 =	rddreg [dreg:$0x2];
	[bflag:$0x3] =	sbarrier.arrive $0xFFFF;
	s2 =	simm.s32 @!p0 $0x1C01  }
0x44: {  	[timem:s3], [sflag:s2] =	dma.local @!p0 [hbm:s0], s1  }
0x45: {  	s0 =	simm.s32 @!p0 $0x1  }
0x46: {  	_ =	swait.ge @!p0 [sflag:s0], s1  }
0x47: {  	s1 =	ssub.s32 @!p0 $0x0, s1;
	[sflag:s0] =	ssyncset.done @!p0 $0x0  }
0x48: {  	[sflag:s0] =	ssyncadd.s32 @!p0 s1  }
0x49: {  	[bflag:$0x3] =	sbarrier.arrive $0xFFFF  }
0x4a: {  	_ =	shalt  }

</sc_bundles>
